<compile_context>
chip_gen: v7x
topology: tpu7x:2x2x1
jax: 0.10.2.dev20260603
libtpu: 0.0.44.dev20260713+nightly
codegen_flags: <defaults>
</compile_context>

<pallas_src>
import functools

import numpy as np
import jax
import jax.numpy as jnp
from jax import lax
from jax.experimental import pallas as pl
from jax.experimental.pallas import tpu as pltpu
from jax.experimental.pallas import tpu_sc as plsc

_BANK_N, _F, _T = 1000, 256, 256
_NROWS = 32
_NCH = 2
_CF = _F // _NCH
_NBUF = 3
_FAN_CAP = 2

_rng = np.random.RandomState(0)
_R = _rng.randint(0, _BANK_N, size=_NROWS)
assert not (_R < np.arange(_NROWS)).any()
_DEP = np.concatenate(
    [8 * i + _rng.randint(0, 8, size=8) for i in range(4)]
)

_INV = [[int(k) for k in np.where(_DEP == w)[0]] for w in range(_NROWS)]
_FAN = {w: _INV[w][:_FAN_CAP] for w in range(_NROWS)}
_COVERED = {k for w in _FAN for k in _FAN[w]}
_FAN_DST = [
    [(_FAN[w][j] if j < len(_FAN[w]) else 0) for w in range(_NROWS)]
    for j in range(_FAN_CAP)
]
_FAN_EN = [
    [(1 if j < len(_FAN[w]) else 0) for w in range(_NROWS)]
    for j in range(_FAN_CAP)
]
_SELF_EN = [0 if k in _COVERED else 1 for k in range(_NROWS)]


def _sel(wid, table):
    v = jnp.int32(int(table[0]))
    for j in range(1, len(table)):
        v = jnp.where(wid == j, jnp.int32(int(table[j])), v)
    return v


@jax.jit
def _pair_sample_sc(est3, bank3):
    mesh = plsc.VectorSubcoreMesh(core_axis_name="c", subcore_axis_name="s")
    out_t = (
        jax.ShapeDtypeStruct((_NROWS, 2, _F, _T), jnp.float32),
        jax.ShapeDtypeStruct((_NROWS, 2, _F, _T), jnp.float32),
    )

    @functools.partial(
        pl.kernel,
        out_type=out_t,
        mesh=mesh,
        scratch_types=[
            pltpu.VMEM((_NBUF, _CF, _T), jnp.float32),
            pltpu.SemaphoreType.DMA((_NBUF,)),
            pltpu.SemaphoreType.DMA((_NBUF,)),
        ],
    )
    def k(est_hbm, bank_hbm, ind_hbm, dep_hbm, buf, in_sem, out_sem):
        wid = lax.axis_index("c") * 16 + lax.axis_index("s")
        r = _sel(wid, _R)
        d = _sel(wid, _DEP)
        fan_dst = [_sel(wid, t) for t in _FAN_DST]
        fan_en = [_sel(wid, t) != 0 for t in _FAN_EN]
        self_en = _sel(wid, _SELF_EN) != 0

        jobs = []
        for h in range(_NCH):
            rows = pl.ds(h * _CF, _CF)
            est_dsts = [
                (ind_hbm.at[wid, 0, rows, :], None),
                (dep_hbm.at[wid, 0, rows, :], None),
            ]
            for dst_row, en in zip(fan_dst, fan_en):
                est_dsts.append((dep_hbm.at[dst_row, 1, rows, :], en))
            jobs.append((est_hbm.at[wid, rows, :], None, est_dsts))
            jobs.append(
                (
                    bank_hbm.at[r, rows, :],
                    None,
                    [(ind_hbm.at[wid, 1, rows, :], None)],
                )
            )
            jobs.append(
                (
                    est_hbm.at[d, rows, :],
                    self_en,
                    [(dep_hbm.at[wid, 1, rows, :], self_en)],
                )
            )

        def _guarded(en, fn):
            if en is None:
                fn()
            else:
                pl.when(en)(fn)

        load_desc = {}
        store_descs = {b: [] for b in range(_NBUF)}

        def issue_load(i):
            b = i % _NBUF
            for dsc, en in store_descs[b]:
                _guarded(en, dsc.wait)
            store_descs[b] = []
            src, len_, _ = jobs[i]
            dsc = pltpu.make_async_copy(src, buf.at[b], in_sem.at[b])
            _guarded(len_, dsc.start)
            load_desc[b] = (dsc, len_)

        for i in range(min(_NBUF, len(jobs))):
            issue_load(i)
        for i, (_, len_, dsts) in enumerate(jobs):
            b = i % _NBUF
            dsc, _ = load_desc[b]
            _guarded(len_, dsc.wait)
            for dst, en in dsts:
                sdsc = pltpu.make_async_copy(buf.at[b], dst, out_sem.at[b])
                _guarded(en, sdsc.start)
                store_descs[b].append((sdsc, en))
            if i + _NBUF < len(jobs):
                issue_load(i + _NBUF)
        for b in range(_NBUF):
            for dsc, en in store_descs[b]:
                _guarded(en, dsc.wait)

    return k(est3, bank3)


def kernel(est_mel_mag, components_valid_nums, memory_bank):
    del components_valid_nums
    B, S1, S2, F, T = est_mel_mag.shape
    est3 = est_mel_mag.reshape(B * S1 * S2, F, T)
    return _pair_sample_sc(est3, memory_bank)

# --- scband reference (transcript-rebuilt; emitter-appended) ---
"""Pipeline reference for scband-pair-sample-module-66365834657930 (READ-ONLY COPY).

The authoritative reference and input builder live on the scoring server;
editing this copy changes nothing except your own understanding.
"""

import jax, jax.numpy as jnp
import numpy as np

BANK_N, F_DIM, T_DIM = 1000, 256, 256


def setup_inputs(seed: int = 0) -> dict:
    key = jax.random.key(seed)
    k1, k2 = jax.random.split(key)
    est_mel_mag = jax.random.normal(k1, (4, 2, 4, F_DIM, T_DIM), dtype=jnp.float32)
    components_valid_nums = jnp.ones((4, 2, 4), dtype=jnp.int32)
    memory_bank = jax.random.normal(k2, (BANK_N, F_DIM, T_DIM), dtype=jnp.float32)
    return {
        "est_mel_mag": est_mel_mag,
        "components_valid_nums": components_valid_nums,
        "memory_bank": memory_bank,
    }


def reference(est_mel_mag, components_valid_nums, memory_bank):
    B, S1, S2, F, T = est_mel_mag.shape
    # ---- independent pairs: flatten(end_dim=2) -> [N, F, T] ----
    est1 = est_mel_mag.reshape(-1, F, T)
    valid1 = components_valid_nums.reshape(-1).astype(bool)
    n_valid = B * S1 * S2
    est_valid = jnp.where(valid1[:, None, None], est1, 0.0)

    # Deterministic surrogate for random_sample_components_from_bank: one
    # uniform bank slot per valid component. The rolling enqueue (idx starts
    # at 0, slot j overwritten by the j-th enqueued component, detached) is
    # vectorized: if sampled slot r < current position j, the slot already
    # holds the (detached) j'=r enqueued component; otherwise it still holds
    # the original bank content.
    rng = np.random.RandomState(0)
    r = rng.randint(0, BANK_N, size=n_valid)
    pos = np.arange(n_valid)
    overwritten = r < pos
    safe_idx = np.where(overwritten, r, 0)
    from_enqueued = jax.lax.stop_gradient(est_valid)[jnp.asarray(safe_idx)]
    from_bank = memory_bank[jnp.asarray(r)]  # memory-bound gather from 262MB bank
    sampled = jnp.where(jnp.asarray(overwritten)[:, None, None], from_enqueued, from_bank)
    independent_pair = jnp.stack([est_valid, sampled], axis=1)  # [n_valid, 2, F, T]

    # ---- dependent pairs: flatten(start_dim=1, end_dim=2) -> [B, N2, F, T] ----
    est2 = est_mel_mag.reshape(B, S1 * S2, F, T)
    valid2 = components_valid_nums.reshape(B, S1 * S2).astype(bool)
    dep = []
    for i in range(B):
        comps = jnp.where(valid2[i][:, None, None], est2[i], 0.0)
        nv = S1 * S2
        # dependent_sample_from_est_mel_mag: resample components within the
        # same example (uniform with replacement among valid components)
        perm = rng.randint(0, nv, size=nv)
        dep_sampled = comps[jnp.asarray(perm)]
        dep.append(jnp.stack([comps, dep_sampled], axis=1))
    dependent_pair = jnp.concatenate(dep, axis=0)  # [total_valid, 2, F, T]

    return independent_pair, dependent_pair

if __name__ == "__main__":
    import jax
    _d = setup_inputs()
    print(jax.jit(kernel)(*tuple(_d.values())))

</pallas_src>

<mosaic_0001>
#map = affine_map<(d0, d1) -> (0, 0, 0)>
#map1 = affine_map<(d0, d1) -> (0, 0, 0, 0)>
module attributes {stable_mosaic.version = 14 : i64} {
  func.func @k(%arg0: i32, %arg1: i32, %arg2: memref<32x256x256xf32, #tpu.memory_space<hbm>>, %arg3: memref<1000x256x256xf32, #tpu.memory_space<hbm>>, %arg4: memref<32x2x256x256xf32, #tpu.memory_space<hbm>>, %arg5: memref<32x2x256x256xf32, #tpu.memory_space<hbm>>, %arg6: memref<3x128x256xf32, #tpu.memory_space<vmem>>, %arg7: memref<3x!tpu.dma_semaphore, #tpu.memory_space<semaphore_mem>>, %arg8: memref<3x!tpu.dma_semaphore, #tpu.memory_space<semaphore_mem>>) attributes {dimension_semantics = [#tpu.dimension_semantics<core_parallel>, #tpu.dimension_semantics<subcore_parallel>], iteration_bounds = array<i64: 2, 16>, scalar_prefetch = 0 : i64, scratch_operands = 3 : i64, tpu.core_type = #tpu.core_type<sc_vector_subcore>, window_params = [{transform_indices = #map}, {transform_indices = #map}, {transform_indices = #map1}, {transform_indices = #map1}]} {
    %mul3A = arith.constant 16 : i32
    %mul3A_0 = arith.muli %arg0, %mul3A : i32
    %add3A = arith.addi %mul3A_0, %arg1 : i32
    %eq3A = arith.constant 1 : i32
    %eq3A_1 = arith.cmpi eq, %add3A, %eq3A : i32
    %jit3A = arith.constant 559 : i32
    %jit3A_2 = arith.constant 684 : i32
    %select_n3A = arith.select %eq3A_1, %jit3A, %jit3A_2 : i32
    %eq3A_3 = arith.constant 2 : i32
    %eq3A_4 = arith.cmpi eq, %add3A, %eq3A_3 : i32
    %jit3A_5 = arith.constant 629 : i32
    %select_n3A_6 = arith.select %eq3A_4, %jit3A_5, %select_n3A : i32
    %eq3A_7 = arith.constant 3 : i32
    %eq3A_8 = arith.cmpi eq, %add3A, %eq3A_7 : i32
    %jit3A_9 = arith.constant 192 : i32
    %select_n3A_10 = arith.select %eq3A_8, %jit3A_9, %select_n3A_6 : i32
    %eq3A_11 = arith.constant 4 : i32
    %eq3A_12 = arith.cmpi eq, %add3A, %eq3A_11 : i32
    %jit3A_13 = arith.constant 835 : i32
    %select_n3A_14 = arith.select %eq3A_12, %jit3A_13, %select_n3A_10 : i32
    %eq3A_15 = arith.constant 5 : i32
    %eq3A_16 = arith.cmpi eq, %add3A, %eq3A_15 : i32
    %jit3A_17 = arith.constant 763 : i32
    %select_n3A_18 = arith.select %eq3A_16, %jit3A_17, %select_n3A_14 : i32
    %eq3A_19 = arith.constant 6 : i32
    %eq3A_20 = arith.cmpi eq, %add3A, %eq3A_19 : i32
    %jit3A_21 = arith.constant 707 : i32
    %select_n3A_22 = arith.select %eq3A_20, %jit3A_21, %select_n3A_18 : i32
    %eq3A_23 = arith.constant 7 : i32
    %eq3A_24 = arith.cmpi eq, %add3A, %eq3A_23 : i32
    %jit3A_25 = arith.constant 359 : i32
    %select_n3A_26 = arith.select %eq3A_24, %jit3A_25, %select_n3A_22 : i32
    %eq3A_27 = arith.constant 8 : i32
    %eq3A_28 = arith.cmpi eq, %add3A, %eq3A_27 : i32
    %jit3A_29 = arith.constant 9 : i32
    %select_n3A_30 = arith.select %eq3A_28, %jit3A_29, %select_n3A_26 : i32
    %eq3A_31 = arith.constant 9 : i32
    %eq3A_32 = arith.cmpi eq, %add3A, %eq3A_31 : i32
    %jit3A_33 = arith.constant 723 : i32
    %select_n3A_34 = arith.select %eq3A_32, %jit3A_33, %select_n3A_30 : i32
    %eq3A_35 = arith.constant 10 : i32
    %eq3A_36 = arith.cmpi eq, %add3A, %eq3A_35 : i32
    %jit3A_37 = arith.constant 277 : i32
    %select_n3A_38 = arith.select %eq3A_36, %jit3A_37, %select_n3A_34 : i32
    %eq3A_39 = arith.constant 11 : i32
    %eq3A_40 = arith.cmpi eq, %add3A, %eq3A_39 : i32
    %jit3A_41 = arith.constant 754 : i32
    %select_n3A_42 = arith.select %eq3A_40, %jit3A_41, %select_n3A_38 : i32
    %eq3A_43 = arith.constant 12 : i32
    %eq3A_44 = arith.cmpi eq, %add3A, %eq3A_43 : i32
    %jit3A_45 = arith.constant 804 : i32
    %select_n3A_46 = arith.select %eq3A_44, %jit3A_45, %select_n3A_42 : i32
    %eq3A_47 = arith.constant 13 : i32
    %eq3A_48 = arith.cmpi eq, %add3A, %eq3A_47 : i32
    %jit3A_49 = arith.constant 599 : i32
    %select_n3A_50 = arith.select %eq3A_48, %jit3A_49, %select_n3A_46 : i32
    %eq3A_51 = arith.constant 14 : i32
    %eq3A_52 = arith.cmpi eq, %add3A, %eq3A_51 : i32
    %jit3A_53 = arith.constant 70 : i32
    %select_n3A_54 = arith.select %eq3A_52, %jit3A_53, %select_n3A_50 : i32
    %eq3A_55 = arith.constant 15 : i32
    %eq3A_56 = arith.cmpi eq, %add3A, %eq3A_55 : i32
    %jit3A_57 = arith.constant 472 : i32
    %select_n3A_58 = arith.select %eq3A_56, %jit3A_57, %select_n3A_54 : i32
    %eq3A_59 = arith.constant 16 : i32
    %eq3A_60 = arith.cmpi eq, %add3A, %eq3A_59 : i32
    %jit3A_61 = arith.constant 600 : i32
    %select_n3A_62 = arith.select %eq3A_60, %jit3A_61, %select_n3A_58 : i32
    %eq3A_63 = arith.constant 17 : i32
    %eq3A_64 = arith.cmpi eq, %add3A, %eq3A_63 : i32
    %jit3A_65 = arith.constant 396 : i32
    %select_n3A_66 = arith.select %eq3A_64, %jit3A_65, %select_n3A_62 : i32
    %eq3A_67 = arith.constant 18 : i32
    %eq3A_68 = arith.cmpi eq, %add3A, %eq3A_67 : i32
    %jit3A_69 = arith.constant 314 : i32
    %select_n3A_70 = arith.select %eq3A_68, %jit3A_69, %select_n3A_66 : i32
    %eq3A_71 = arith.constant 19 : i32
    %eq3A_72 = arith.cmpi eq, %add3A, %eq3A_71 : i32
    %jit3A_73 = arith.constant 705 : i32
    %select_n3A_74 = arith.select %eq3A_72, %jit3A_73, %select_n3A_70 : i32
    %eq3A_75 = arith.constant 20 : i32
    %eq3A_76 = arith.cmpi eq, %add3A, %eq3A_75 : i32
    %jit3A_77 = arith.constant 486 : i32
    %select_n3A_78 = arith.select %eq3A_76, %jit3A_77, %select_n3A_74 : i32
    %eq3A_79 = arith.constant 21 : i32
    %eq3A_80 = arith.cmpi eq, %add3A, %eq3A_79 : i32
    %jit3A_81 = arith.constant 551 : i32
    %select_n3A_82 = arith.select %eq3A_80, %jit3A_81, %select_n3A_78 : i32
    %eq3A_83 = arith.constant 22 : i32
    %eq3A_84 = arith.cmpi eq, %add3A, %eq3A_83 : i32
    %jit3A_85 = arith.constant 87 : i32
    %select_n3A_86 = arith.select %eq3A_84, %jit3A_85, %select_n3A_82 : i32
    %eq3A_87 = arith.constant 23 : i32
    %eq3A_88 = arith.cmpi eq, %add3A, %eq3A_87 : i32
    %jit3A_89 = arith.constant 174 : i32
    %select_n3A_90 = arith.select %eq3A_88, %jit3A_89, %select_n3A_86 : i32
    %eq3A_91 = arith.constant 24 : i32
    %eq3A_92 = arith.cmpi eq, %add3A, %eq3A_91 : i32
    %jit3A_93 = arith.constant 600 : i32
    %select_n3A_94 = arith.select %eq3A_92, %jit3A_93, %select_n3A_90 : i32
    %eq3A_95 = arith.constant 25 : i32
    %eq3A_96 = arith.cmpi eq, %add3A, %eq3A_95 : i32
    %jit3A_97 = arith.constant 849 : i32
    %select_n3A_98 = arith.select %eq3A_96, %jit3A_97, %select_n3A_94 : i32
    %eq3A_99 = arith.constant 26 : i32
    %eq3A_100 = arith.cmpi eq, %add3A, %eq3A_99 : i32
    %jit3A_101 = arith.constant 677 : i32
    %select_n3A_102 = arith.select %eq3A_100, %jit3A_101, %select_n3A_98 : i32
    %eq3A_103 = arith.constant 27 : i32
    %eq3A_104 = arith.cmpi eq, %add3A, %eq3A_103 : i32
    %jit3A_105 = arith.constant 537 : i32
    %select_n3A_106 = arith.select %eq3A_104, %jit3A_105, %select_n3A_102 : i32
    %eq3A_107 = arith.constant 28 : i32
    %eq3A_108 = arith.cmpi eq, %add3A, %eq3A_107 : i32
    %jit3A_109 = arith.constant 845 : i32
    %select_n3A_110 = arith.select %eq3A_108, %jit3A_109, %select_n3A_106 : i32
    %eq3A_111 = arith.constant 29 : i32
    %eq3A_112 = arith.cmpi eq, %add3A, %eq3A_111 : i32
    %jit3A_113 = arith.constant 72 : i32
    %select_n3A_114 = arith.select %eq3A_112, %jit3A_113, %select_n3A_110 : i32
    %eq3A_115 = arith.constant 30 : i32
    %eq3A_116 = arith.cmpi eq, %add3A, %eq3A_115 : i32
    %jit3A_117 = arith.constant 777 : i32
    %select_n3A_118 = arith.select %eq3A_116, %jit3A_117, %select_n3A_114 : i32
    %eq3A_119 = arith.constant 31 : i32
    %eq3A_120 = arith.cmpi eq, %add3A, %eq3A_119 : i32
    %jit3A_121 = arith.constant 916 : i32
    %select_n3A_122 = arith.select %eq3A_120, %jit3A_121, %select_n3A_118 : i32
    %eq3A_123 = arith.constant 1 : i32
    %eq3A_124 = arith.cmpi eq, %add3A, %eq3A_123 : i32
    %jit3A_125 = arith.constant 0 : i32
    %jit3A_126 = arith.constant 3 : i32
    %select_n3A_127 = arith.select %eq3A_124, %jit3A_125, %jit3A_126 : i32
    %eq3A_128 = arith.constant 2 : i32
    %eq3A_129 = arith.cmpi eq, %add3A, %eq3A_128 : i32
    %jit3A_130 = arith.constant 3 : i32
    %select_n3A_131 = arith.select %eq3A_129, %jit3A_130, %select_n3A_127 : i32
    %eq3A_132 = arith.constant 3 : i32
    %eq3A_133 = arith.cmpi eq, %add3A, %eq3A_132 : i32
    %jit3A_134 = arith.constant 5 : i32
    %select_n3A_135 = arith.select %eq3A_133, %jit3A_134, %select_n3A_131 : i32
    %eq3A_136 = arith.constant 4 : i32
    %eq3A_137 = arith.cmpi eq, %add3A, %eq3A_136 : i32
    %jit3A_138 = arith.constant 6 : i32
    %select_n3A_139 = arith.select %eq3A_137, %jit3A_138, %select_n3A_135 : i32
    %eq3A_140 = arith.constant 5 : i32
    %eq3A_141 = arith.cmpi eq, %add3A, %eq3A_140 : i32
    %jit3A_142 = arith.constant 7 : i32
    %select_n3A_143 = arith.select %eq3A_141, %jit3A_142, %select_n3A_139 : i32
    %eq3A_144 = arith.constant 6 : i32
    %eq3A_145 = arith.cmpi eq, %add3A, %eq3A_144 : i32
    %jit3A_146 = arith.constant 7 : i32
    %select_n3A_147 = arith.select %eq3A_145, %jit3A_146, %select_n3A_143 : i32
    %eq3A_148 = arith.constant 7 : i32
    %eq3A_149 = arith.cmpi eq, %add3A, %eq3A_148 : i32
    %jit3A_150 = arith.constant 0 : i32
    %select_n3A_151 = arith.select %eq3A_149, %jit3A_150, %select_n3A_147 : i32
    %eq3A_152 = arith.constant 8 : i32
    %eq3A_153 = arith.cmpi eq, %add3A, %eq3A_152 : i32
    %jit3A_154 = arith.constant 10 : i32
    %select_n3A_155 = arith.select %eq3A_153, %jit3A_154, %select_n3A_151 : i32
    %eq3A_156 = arith.constant 9 : i32
    %eq3A_157 = arith.cmpi eq, %add3A, %eq3A_156 : i32
    %jit3A_158 = arith.constant 11 : i32
    %select_n3A_159 = arith.select %eq3A_157, %jit3A_158, %select_n3A_155 : i32
    %eq3A_160 = arith.constant 10 : i32
    %eq3A_161 = arith.cmpi eq, %add3A, %eq3A_160 : i32
    %jit3A_162 = arith.constant 8 : i32
    %select_n3A_163 = arith.select %eq3A_161, %jit3A_162, %select_n3A_159 : i32
    %eq3A_164 = arith.constant 11 : i32
    %eq3A_165 = arith.cmpi eq, %add3A, %eq3A_164 : i32
    %jit3A_166 = arith.constant 9 : i32
    %select_n3A_167 = arith.select %eq3A_165, %jit3A_166, %select_n3A_163 : i32
    %eq3A_168 = arith.constant 12 : i32
    %eq3A_169 = arith.cmpi eq, %add3A, %eq3A_168 : i32
    %jit3A_170 = arith.constant 11 : i32
    %select_n3A_171 = arith.select %eq3A_169, %jit3A_170, %select_n3A_167 : i32
    %eq3A_172 = arith.constant 13 : i32
    %eq3A_173 = arith.cmpi eq, %add3A, %eq3A_172 : i32
    %jit3A_174 = arith.constant 13 : i32
    %select_n3A_175 = arith.select %eq3A_173, %jit3A_174, %select_n3A_171 : i32
    %eq3A_176 = arith.constant 14 : i32
    %eq3A_177 = arith.cmpi eq, %add3A, %eq3A_176 : i32
    %jit3A_178 = arith.constant 11 : i32
    %select_n3A_179 = arith.select %eq3A_177, %jit3A_178, %select_n3A_175 : i32
    %eq3A_180 = arith.constant 15 : i32
    %eq3A_181 = arith.cmpi eq, %add3A, %eq3A_180 : i32
    %jit3A_182 = arith.constant 11 : i32
    %select_n3A_183 = arith.select %eq3A_181, %jit3A_182, %select_n3A_179 : i32
    %eq3A_184 = arith.constant 16 : i32
    %eq3A_185 = arith.cmpi eq, %add3A, %eq3A_184 : i32
    %jit3A_186 = arith.constant 22 : i32
    %select_n3A_187 = arith.select %eq3A_185, %jit3A_186, %select_n3A_183 : i32
    %eq3A_188 = arith.constant 17 : i32
    %eq3A_189 = arith.cmpi eq, %add3A, %eq3A_188 : i32
    %jit3A_190 = arith.constant 23 : i32
    %select_n3A_191 = arith.select %eq3A_189, %jit3A_190, %select_n3A_187 : i32
    %eq3A_192 = arith.constant 18 : i32
    %eq3A_193 = arith.cmpi eq, %add3A, %eq3A_192 : i32
    %jit3A_194 = arith.constant 16 : i32
    %select_n3A_195 = arith.select %eq3A_193, %jit3A_194, %select_n3A_191 : i32
    %eq3A_196 = arith.constant 19 : i32
    %eq3A_197 = arith.cmpi eq, %add3A, %eq3A_196 : i32
    %jit3A_198 = arith.constant 17 : i32
    %select_n3A_199 = arith.select %eq3A_197, %jit3A_198, %select_n3A_195 : i32
    %eq3A_200 = arith.constant 20 : i32
    %eq3A_201 = arith.cmpi eq, %add3A, %eq3A_200 : i32
    %jit3A_202 = arith.constant 17 : i32
    %select_n3A_203 = arith.select %eq3A_201, %jit3A_202, %select_n3A_199 : i32
    %eq3A_204 = arith.constant 21 : i32
    %eq3A_205 = arith.cmpi eq, %add3A, %eq3A_204 : i32
    %jit3A_206 = arith.constant 17 : i32
    %select_n3A_207 = arith.select %eq3A_205, %jit3A_206, %select_n3A_203 : i32
    %eq3A_208 = arith.constant 22 : i32
    %eq3A_209 = arith.cmpi eq, %add3A, %eq3A_208 : i32
    %jit3A_210 = arith.constant 23 : i32
    %select_n3A_211 = arith.select %eq3A_209, %jit3A_210, %select_n3A_207 : i32
    %eq3A_212 = arith.constant 23 : i32
    %eq3A_213 = arith.cmpi eq, %add3A, %eq3A_212 : i32
    %jit3A_214 = arith.constant 16 : i32
    %select_n3A_215 = arith.select %eq3A_213, %jit3A_214, %select_n3A_211 : i32
    %eq3A_216 = arith.constant 24 : i32
    %eq3A_217 = arith.cmpi eq, %add3A, %eq3A_216 : i32
    %jit3A_218 = arith.constant 31 : i32
    %select_n3A_219 = arith.select %eq3A_217, %jit3A_218, %select_n3A_215 : i32
    %eq3A_220 = arith.constant 25 : i32
    %eq3A_221 = arith.cmpi eq, %add3A, %eq3A_220 : i32
    %jit3A_222 = arith.constant 26 : i32
    %select_n3A_223 = arith.select %eq3A_221, %jit3A_222, %select_n3A_219 : i32
    %eq3A_224 = arith.constant 26 : i32
    %eq3A_225 = arith.cmpi eq, %add3A, %eq3A_224 : i32
    %jit3A_226 = arith.constant 28 : i32
    %select_n3A_227 = arith.select %eq3A_225, %jit3A_226, %select_n3A_223 : i32
    %eq3A_228 = arith.constant 27 : i32
    %eq3A_229 = arith.cmpi eq, %add3A, %eq3A_228 : i32
    %jit3A_230 = arith.constant 31 : i32
    %select_n3A_231 = arith.select %eq3A_229, %jit3A_230, %select_n3A_227 : i32
    %eq3A_232 = arith.constant 28 : i32
    %eq3A_233 = arith.cmpi eq, %add3A, %eq3A_232 : i32
    %jit3A_234 = arith.constant 27 : i32
    %select_n3A_235 = arith.select %eq3A_233, %jit3A_234, %select_n3A_231 : i32
    %eq3A_236 = arith.constant 29 : i32
    %eq3A_237 = arith.cmpi eq, %add3A, %eq3A_236 : i32
    %jit3A_238 = arith.constant 30 : i32
    %select_n3A_239 = arith.select %eq3A_237, %jit3A_238, %select_n3A_235 : i32
    %eq3A_240 = arith.constant 30 : i32
    %eq3A_241 = arith.cmpi eq, %add3A, %eq3A_240 : i32
    %jit3A_242 = arith.constant 27 : i32
    %select_n3A_243 = arith.select %eq3A_241, %jit3A_242, %select_n3A_239 : i32
    %eq3A_244 = arith.constant 31 : i32
    %eq3A_245 = arith.cmpi eq, %add3A, %eq3A_244 : i32
    %jit3A_246 = arith.constant 26 : i32
    %select_n3A_247 = arith.select %eq3A_245, %jit3A_246, %select_n3A_243 : i32
    %eq3A_248 = arith.constant 1 : i32
    %eq3A_249 = arith.cmpi eq, %add3A, %eq3A_248 : i32
    %jit3A_250 = arith.constant 0 : i32
    %jit3A_251 = arith.constant 1 : i32
    %select_n3A_252 = arith.select %eq3A_249, %jit3A_250, %jit3A_251 : i32
    %eq3A_253 = arith.constant 2 : i32
    %eq3A_254 = arith.cmpi eq, %add3A, %eq3A_253 : i32
    %jit3A_255 = arith.constant 0 : i32
    %select_n3A_256 = arith.select %eq3A_254, %jit3A_255, %select_n3A_252 : i32
    %eq3A_257 = arith.constant 3 : i32
    %eq3A_258 = arith.cmpi eq, %add3A, %eq3A_257 : i32
    %jit3A_259 = arith.constant 0 : i32
    %select_n3A_260 = arith.select %eq3A_258, %jit3A_259, %select_n3A_256 : i32
    %eq3A_261 = arith.constant 4 : i32
    %eq3A_262 = arith.cmpi eq, %add3A, %eq3A_261 : i32
    %jit3A_263 = arith.constant 0 : i32
    %select_n3A_264 = arith.select %eq3A_262, %jit3A_263, %select_n3A_260 : i32
    %eq3A_265 = arith.constant 5 : i32
    %eq3A_266 = arith.cmpi eq, %add3A, %eq3A_265 : i32
    %jit3A_267 = arith.constant 3 : i32
    %select_n3A_268 = arith.select %eq3A_266, %jit3A_267, %select_n3A_264 : i32
    %eq3A_269 = arith.constant 6 : i32
    %eq3A_270 = arith.cmpi eq, %add3A, %eq3A_269 : i32
    %jit3A_271 = arith.constant 4 : i32
    %select_n3A_272 = arith.select %eq3A_270, %jit3A_271, %select_n3A_268 : i32
    %eq3A_273 = arith.constant 7 : i32
    %eq3A_274 = arith.cmpi eq, %add3A, %eq3A_273 : i32
    %jit3A_275 = arith.constant 5 : i32
    %select_n3A_276 = arith.select %eq3A_274, %jit3A_275, %select_n3A_272 : i32
    %eq3A_277 = arith.constant 8 : i32
    %eq3A_278 = arith.cmpi eq, %add3A, %eq3A_277 : i32
    %jit3A_279 = arith.constant 10 : i32
    %select_n3A_280 = arith.select %eq3A_278, %jit3A_279, %select_n3A_276 : i32
    %eq3A_281 = arith.constant 9 : i32
    %eq3A_282 = arith.cmpi eq, %add3A, %eq3A_281 : i32
    %jit3A_283 = arith.constant 11 : i32
    %select_n3A_284 = arith.select %eq3A_282, %jit3A_283, %select_n3A_280 : i32
    %eq3A_285 = arith.constant 10 : i32
    %eq3A_286 = arith.cmpi eq, %add3A, %eq3A_285 : i32
    %jit3A_287 = arith.constant 8 : i32
    %select_n3A_288 = arith.select %eq3A_286, %jit3A_287, %select_n3A_284 : i32
    %eq3A_289 = arith.constant 11 : i32
    %eq3A_290 = arith.cmpi eq, %add3A, %eq3A_289 : i32
    %jit3A_291 = arith.constant 9 : i32
    %select_n3A_292 = arith.select %eq3A_290, %jit3A_291, %select_n3A_288 : i32
    %eq3A_293 = arith.constant 12 : i32
    %eq3A_294 = arith.cmpi eq, %add3A, %eq3A_293 : i32
    %jit3A_295 = arith.constant 0 : i32
    %select_n3A_296 = arith.select %eq3A_294, %jit3A_295, %select_n3A_292 : i32
    %eq3A_297 = arith.constant 13 : i32
    %eq3A_298 = arith.cmpi eq, %add3A, %eq3A_297 : i32
    %jit3A_299 = arith.constant 13 : i32
    %select_n3A_300 = arith.select %eq3A_298, %jit3A_299, %select_n3A_296 : i32
    %eq3A_301 = arith.constant 14 : i32
    %eq3A_302 = arith.cmpi eq, %add3A, %eq3A_301 : i32
    %jit3A_303 = arith.constant 0 : i32
    %select_n3A_304 = arith.select %eq3A_302, %jit3A_303, %select_n3A_300 : i32
    %eq3A_305 = arith.constant 15 : i32
    %eq3A_306 = arith.cmpi eq, %add3A, %eq3A_305 : i32
    %jit3A_307 = arith.constant 0 : i32
    %select_n3A_308 = arith.select %eq3A_306, %jit3A_307, %select_n3A_304 : i32
    %eq3A_309 = arith.constant 16 : i32
    %eq3A_310 = arith.cmpi eq, %add3A, %eq3A_309 : i32
    %jit3A_311 = arith.constant 18 : i32
    %select_n3A_312 = arith.select %eq3A_310, %jit3A_311, %select_n3A_308 : i32
    %eq3A_313 = arith.constant 17 : i32
    %eq3A_314 = arith.cmpi eq, %add3A, %eq3A_313 : i32
    %jit3A_315 = arith.constant 19 : i32
    %select_n3A_316 = arith.select %eq3A_314, %jit3A_315, %select_n3A_312 : i32
    %eq3A_317 = arith.constant 18 : i32
    %eq3A_318 = arith.cmpi eq, %add3A, %eq3A_317 : i32
    %jit3A_319 = arith.constant 0 : i32
    %select_n3A_320 = arith.select %eq3A_318, %jit3A_319, %select_n3A_316 : i32
    %eq3A_321 = arith.constant 19 : i32
    %eq3A_322 = arith.cmpi eq, %add3A, %eq3A_321 : i32
    %jit3A_323 = arith.constant 0 : i32
    %select_n3A_324 = arith.select %eq3A_322, %jit3A_323, %select_n3A_320 : i32
    %eq3A_325 = arith.constant 20 : i32
    %eq3A_326 = arith.cmpi eq, %add3A, %eq3A_325 : i32
    %jit3A_327 = arith.constant 0 : i32
    %select_n3A_328 = arith.select %eq3A_326, %jit3A_327, %select_n3A_324 : i32
    %eq3A_329 = arith.constant 21 : i32
    %eq3A_330 = arith.cmpi eq, %add3A, %eq3A_329 : i32
    %jit3A_331 = arith.constant 0 : i32
    %select_n3A_332 = arith.select %eq3A_330, %jit3A_331, %select_n3A_328 : i32
    %eq3A_333 = arith.constant 22 : i32
    %eq3A_334 = arith.cmpi eq, %add3A, %eq3A_333 : i32
    %jit3A_335 = arith.constant 16 : i32
    %select_n3A_336 = arith.select %eq3A_334, %jit3A_335, %select_n3A_332 : i32
    %eq3A_337 = arith.constant 23 : i32
    %eq3A_338 = arith.cmpi eq, %add3A, %eq3A_337 : i32
    %jit3A_339 = arith.constant 17 : i32
    %select_n3A_340 = arith.select %eq3A_338, %jit3A_339, %select_n3A_336 : i32
    %eq3A_341 = arith.constant 24 : i32
    %eq3A_342 = arith.cmpi eq, %add3A, %eq3A_341 : i32
    %jit3A_343 = arith.constant 0 : i32
    %select_n3A_344 = arith.select %eq3A_342, %jit3A_343, %select_n3A_340 : i32
    %eq3A_345 = arith.constant 25 : i32
    %eq3A_346 = arith.cmpi eq, %add3A, %eq3A_345 : i32
    %jit3A_347 = arith.constant 0 : i32
    %select_n3A_348 = arith.select %eq3A_346, %jit3A_347, %select_n3A_344 : i32
    %eq3A_349 = arith.constant 26 : i32
    %eq3A_350 = arith.cmpi eq, %add3A, %eq3A_349 : i32
    %jit3A_351 = arith.constant 25 : i32
    %select_n3A_352 = arith.select %eq3A_350, %jit3A_351, %select_n3A_348 : i32
    %eq3A_353 = arith.constant 27 : i32
    %eq3A_354 = arith.cmpi eq, %add3A, %eq3A_353 : i32
    %jit3A_355 = arith.constant 28 : i32
    %select_n3A_356 = arith.select %eq3A_354, %jit3A_355, %select_n3A_352 : i32
    %eq3A_357 = arith.constant 28 : i32
    %eq3A_358 = arith.cmpi eq, %add3A, %eq3A_357 : i32
    %jit3A_359 = arith.constant 26 : i32
    %select_n3A_360 = arith.select %eq3A_358, %jit3A_359, %select_n3A_356 : i32
    %eq3A_361 = arith.constant 29 : i32
    %eq3A_362 = arith.cmpi eq, %add3A, %eq3A_361 : i32
    %jit3A_363 = arith.constant 0 : i32
    %select_n3A_364 = arith.select %eq3A_362, %jit3A_363, %select_n3A_360 : i32
    %eq3A_365 = arith.constant 30 : i32
    %eq3A_366 = arith.cmpi eq, %add3A, %eq3A_365 : i32
    %jit3A_367 = arith.constant 29 : i32
    %select_n3A_368 = arith.select %eq3A_366, %jit3A_367, %select_n3A_364 : i32
    %eq3A_369 = arith.constant 31 : i32
    %eq3A_370 = arith.cmpi eq, %add3A, %eq3A_369 : i32
    %jit3A_371 = arith.constant 24 : i32
    %select_n3A_372 = arith.select %eq3A_370, %jit3A_371, %select_n3A_368 : i32
    %eq3A_373 = arith.constant 1 : i32
    %eq3A_374 = arith.cmpi eq, %add3A, %eq3A_373 : i32
    %jit3A_375 = arith.constant 0 : i32
    %jit3A_376 = arith.constant 7 : i32
    %select_n3A_377 = arith.select %eq3A_374, %jit3A_375, %jit3A_376 : i32
    %eq3A_378 = arith.constant 2 : i32
    %eq3A_379 = arith.cmpi eq, %add3A, %eq3A_378 : i32
    %jit3A_380 = arith.constant 0 : i32
    %select_n3A_381 = arith.select %eq3A_379, %jit3A_380, %select_n3A_377 : i32
    %eq3A_382 = arith.constant 3 : i32
    %eq3A_383 = arith.cmpi eq, %add3A, %eq3A_382 : i32
    %jit3A_384 = arith.constant 2 : i32
    %select_n3A_385 = arith.select %eq3A_383, %jit3A_384, %select_n3A_381 : i32
    %eq3A_386 = arith.constant 4 : i32
    %eq3A_387 = arith.cmpi eq, %add3A, %eq3A_386 : i32
    %jit3A_388 = arith.constant 0 : i32
    %select_n3A_389 = arith.select %eq3A_387, %jit3A_388, %select_n3A_385 : i32
    %eq3A_390 = arith.constant 5 : i32
    %eq3A_391 = arith.cmpi eq, %add3A, %eq3A_390 : i32
    %jit3A_392 = arith.constant 0 : i32
    %select_n3A_393 = arith.select %eq3A_391, %jit3A_392, %select_n3A_389 : i32
    %eq3A_394 = arith.constant 6 : i32
    %eq3A_395 = arith.cmpi eq, %add3A, %eq3A_394 : i32
    %jit3A_396 = arith.constant 0 : i32
    %select_n3A_397 = arith.select %eq3A_395, %jit3A_396, %select_n3A_393 : i32
    %eq3A_398 = arith.constant 7 : i32
    %eq3A_399 = arith.cmpi eq, %add3A, %eq3A_398 : i32
    %jit3A_400 = arith.constant 6 : i32
    %select_n3A_401 = arith.select %eq3A_399, %jit3A_400, %select_n3A_397 : i32
    %eq3A_402 = arith.constant 8 : i32
    %eq3A_403 = arith.cmpi eq, %add3A, %eq3A_402 : i32
    %jit3A_404 = arith.constant 0 : i32
    %select_n3A_405 = arith.select %eq3A_403, %jit3A_404, %select_n3A_401 : i32
    %eq3A_406 = arith.constant 9 : i32
    %eq3A_407 = arith.cmpi eq, %add3A, %eq3A_406 : i32
    %jit3A_408 = arith.constant 0 : i32
    %select_n3A_409 = arith.select %eq3A_407, %jit3A_408, %select_n3A_405 : i32
    %eq3A_410 = arith.constant 10 : i32
    %eq3A_411 = arith.cmpi eq, %add3A, %eq3A_410 : i32
    %jit3A_412 = arith.constant 0 : i32
    %select_n3A_413 = arith.select %eq3A_411, %jit3A_412, %select_n3A_409 : i32
    %eq3A_414 = arith.constant 11 : i32
    %eq3A_415 = arith.cmpi eq, %add3A, %eq3A_414 : i32
    %jit3A_416 = arith.constant 12 : i32
    %select_n3A_417 = arith.select %eq3A_415, %jit3A_416, %select_n3A_413 : i32
    %eq3A_418 = arith.constant 12 : i32
    %eq3A_419 = arith.cmpi eq, %add3A, %eq3A_418 : i32
    %jit3A_420 = arith.constant 0 : i32
    %select_n3A_421 = arith.select %eq3A_419, %jit3A_420, %select_n3A_417 : i32
    %eq3A_422 = arith.constant 13 : i32
    %eq3A_423 = arith.cmpi eq, %add3A, %eq3A_422 : i32
    %jit3A_424 = arith.constant 0 : i32
    %select_n3A_425 = arith.select %eq3A_423, %jit3A_424, %select_n3A_421 : i32
    %eq3A_426 = arith.constant 14 : i32
    %eq3A_427 = arith.cmpi eq, %add3A, %eq3A_426 : i32
    %jit3A_428 = arith.constant 0 : i32
    %select_n3A_429 = arith.select %eq3A_427, %jit3A_428, %select_n3A_425 : i32
    %eq3A_430 = arith.constant 15 : i32
    %eq3A_431 = arith.cmpi eq, %add3A, %eq3A_430 : i32
    %jit3A_432 = arith.constant 0 : i32
    %select_n3A_433 = arith.select %eq3A_431, %jit3A_432, %select_n3A_429 : i32
    %eq3A_434 = arith.constant 16 : i32
    %eq3A_435 = arith.cmpi eq, %add3A, %eq3A_434 : i32
    %jit3A_436 = arith.constant 23 : i32
    %select_n3A_437 = arith.select %eq3A_435, %jit3A_436, %select_n3A_433 : i32
    %eq3A_438 = arith.constant 17 : i32
    %eq3A_439 = arith.cmpi eq, %add3A, %eq3A_438 : i32
    %jit3A_440 = arith.constant 20 : i32
    %select_n3A_441 = arith.select %eq3A_439, %jit3A_440, %select_n3A_437 : i32
    %eq3A_442 = arith.constant 18 : i32
    %eq3A_443 = arith.cmpi eq, %add3A, %eq3A_442 : i32
    %jit3A_444 = arith.constant 0 : i32
    %select_n3A_445 = arith.select %eq3A_443, %jit3A_444, %select_n3A_441 : i32
    %eq3A_446 = arith.constant 19 : i32
    %eq3A_447 = arith.cmpi eq, %add3A, %eq3A_446 : i32
    %jit3A_448 = arith.constant 0 : i32
    %select_n3A_449 = arith.select %eq3A_447, %jit3A_448, %select_n3A_445 : i32
    %eq3A_450 = arith.constant 20 : i32
    %eq3A_451 = arith.cmpi eq, %add3A, %eq3A_450 : i32
    %jit3A_452 = arith.constant 0 : i32
    %select_n3A_453 = arith.select %eq3A_451, %jit3A_452, %select_n3A_449 : i32
    %eq3A_454 = arith.constant 21 : i32
    %eq3A_455 = arith.cmpi eq, %add3A, %eq3A_454 : i32
    %jit3A_456 = arith.constant 0 : i32
    %select_n3A_457 = arith.select %eq3A_455, %jit3A_456, %select_n3A_453 : i32
    %eq3A_458 = arith.constant 22 : i32
    %eq3A_459 = arith.cmpi eq, %add3A, %eq3A_458 : i32
    %jit3A_460 = arith.constant 0 : i32
    %select_n3A_461 = arith.select %eq3A_459, %jit3A_460, %select_n3A_457 : i32
    %eq3A_462 = arith.constant 23 : i32
    %eq3A_463 = arith.cmpi eq, %add3A, %eq3A_462 : i32
    %jit3A_464 = arith.constant 22 : i32
    %select_n3A_465 = arith.select %eq3A_463, %jit3A_464, %select_n3A_461 : i32
    %eq3A_466 = arith.constant 24 : i32
    %eq3A_467 = arith.cmpi eq, %add3A, %eq3A_466 : i32
    %jit3A_468 = arith.constant 0 : i32
    %select_n3A_469 = arith.select %eq3A_467, %jit3A_468, %select_n3A_465 : i32
    %eq3A_470 = arith.constant 25 : i32
    %eq3A_471 = arith.cmpi eq, %add3A, %eq3A_470 : i32
    %jit3A_472 = arith.constant 0 : i32
    %select_n3A_473 = arith.select %eq3A_471, %jit3A_472, %select_n3A_469 : i32
    %eq3A_474 = arith.constant 26 : i32
    %eq3A_475 = arith.cmpi eq, %add3A, %eq3A_474 : i32
    %jit3A_476 = arith.constant 31 : i32
    %select_n3A_477 = arith.select %eq3A_475, %jit3A_476, %select_n3A_473 : i32
    %eq3A_478 = arith.constant 27 : i32
    %eq3A_479 = arith.cmpi eq, %add3A, %eq3A_478 : i32
    %jit3A_480 = arith.constant 30 : i32
    %select_n3A_481 = arith.select %eq3A_479, %jit3A_480, %select_n3A_477 : i32
    %eq3A_482 = arith.constant 28 : i32
    %eq3A_483 = arith.cmpi eq, %add3A, %eq3A_482 : i32
    %jit3A_484 = arith.constant 0 : i32
    %select_n3A_485 = arith.select %eq3A_483, %jit3A_484, %select_n3A_481 : i32
    %eq3A_486 = arith.constant 29 : i32
    %eq3A_487 = arith.cmpi eq, %add3A, %eq3A_486 : i32
    %jit3A_488 = arith.constant 0 : i32
    %select_n3A_489 = arith.select %eq3A_487, %jit3A_488, %select_n3A_485 : i32
    %eq3A_490 = arith.constant 30 : i32
    %eq3A_491 = arith.cmpi eq, %add3A, %eq3A_490 : i32
    %jit3A_492 = arith.constant 0 : i32
    %select_n3A_493 = arith.select %eq3A_491, %jit3A_492, %select_n3A_489 : i32
    %eq3A_494 = arith.constant 31 : i32
    %eq3A_495 = arith.cmpi eq, %add3A, %eq3A_494 : i32
    %jit3A_496 = arith.constant 27 : i32
    %select_n3A_497 = arith.select %eq3A_495, %jit3A_496, %select_n3A_493 : i32
    %eq3A_498 = arith.constant 1 : i32
    %eq3A_499 = arith.cmpi eq, %add3A, %eq3A_498 : i32
    %jit3A_500 = arith.constant 0 : i32
    %jit3A_501 = arith.constant 1 : i32
    %select_n3A_502 = arith.select %eq3A_499, %jit3A_500, %jit3A_501 : i32
    %eq3A_503 = arith.constant 2 : i32
    %eq3A_504 = arith.cmpi eq, %add3A, %eq3A_503 : i32
    %jit3A_505 = arith.constant 0 : i32
    %select_n3A_506 = arith.select %eq3A_504, %jit3A_505, %select_n3A_502 : i32
    %eq3A_507 = arith.constant 3 : i32
    %eq3A_508 = arith.cmpi eq, %add3A, %eq3A_507 : i32
    %jit3A_509 = arith.constant 1 : i32
    %select_n3A_510 = arith.select %eq3A_508, %jit3A_509, %select_n3A_506 : i32
    %eq3A_511 = arith.constant 4 : i32
    %eq3A_512 = arith.cmpi eq, %add3A, %eq3A_511 : i32
    %jit3A_513 = arith.constant 0 : i32
    %select_n3A_514 = arith.select %eq3A_512, %jit3A_513, %select_n3A_510 : i32
    %eq3A_515 = arith.constant 5 : i32
    %eq3A_516 = arith.cmpi eq, %add3A, %eq3A_515 : i32
    %jit3A_517 = arith.constant 1 : i32
    %select_n3A_518 = arith.select %eq3A_516, %jit3A_517, %select_n3A_514 : i32
    %eq3A_519 = arith.constant 6 : i32
    %eq3A_520 = arith.cmpi eq, %add3A, %eq3A_519 : i32
    %jit3A_521 = arith.constant 1 : i32
    %select_n3A_522 = arith.select %eq3A_520, %jit3A_521, %select_n3A_518 : i32
    %eq3A_523 = arith.constant 7 : i32
    %eq3A_524 = arith.cmpi eq, %add3A, %eq3A_523 : i32
    %jit3A_525 = arith.constant 1 : i32
    %select_n3A_526 = arith.select %eq3A_524, %jit3A_525, %select_n3A_522 : i32
    %eq3A_527 = arith.constant 8 : i32
    %eq3A_528 = arith.cmpi eq, %add3A, %eq3A_527 : i32
    %jit3A_529 = arith.constant 1 : i32
    %select_n3A_530 = arith.select %eq3A_528, %jit3A_529, %select_n3A_526 : i32
    %eq3A_531 = arith.constant 9 : i32
    %eq3A_532 = arith.cmpi eq, %add3A, %eq3A_531 : i32
    %jit3A_533 = arith.constant 1 : i32
    %select_n3A_534 = arith.select %eq3A_532, %jit3A_533, %select_n3A_530 : i32
    %eq3A_535 = arith.constant 10 : i32
    %eq3A_536 = arith.cmpi eq, %add3A, %eq3A_535 : i32
    %jit3A_537 = arith.constant 1 : i32
    %select_n3A_538 = arith.select %eq3A_536, %jit3A_537, %select_n3A_534 : i32
    %eq3A_539 = arith.constant 11 : i32
    %eq3A_540 = arith.cmpi eq, %add3A, %eq3A_539 : i32
    %jit3A_541 = arith.constant 1 : i32
    %select_n3A_542 = arith.select %eq3A_540, %jit3A_541, %select_n3A_538 : i32
    %eq3A_543 = arith.constant 12 : i32
    %eq3A_544 = arith.cmpi eq, %add3A, %eq3A_543 : i32
    %jit3A_545 = arith.constant 0 : i32
    %select_n3A_546 = arith.select %eq3A_544, %jit3A_545, %select_n3A_542 : i32
    %eq3A_547 = arith.constant 13 : i32
    %eq3A_548 = arith.cmpi eq, %add3A, %eq3A_547 : i32
    %jit3A_549 = arith.constant 1 : i32
    %select_n3A_550 = arith.select %eq3A_548, %jit3A_549, %select_n3A_546 : i32
    %eq3A_551 = arith.constant 14 : i32
    %eq3A_552 = arith.cmpi eq, %add3A, %eq3A_551 : i32
    %jit3A_553 = arith.constant 0 : i32
    %select_n3A_554 = arith.select %eq3A_552, %jit3A_553, %select_n3A_550 : i32
    %eq3A_555 = arith.constant 15 : i32
    %eq3A_556 = arith.cmpi eq, %add3A, %eq3A_555 : i32
    %jit3A_557 = arith.constant 0 : i32
    %select_n3A_558 = arith.select %eq3A_556, %jit3A_557, %select_n3A_554 : i32
    %eq3A_559 = arith.constant 16 : i32
    %eq3A_560 = arith.cmpi eq, %add3A, %eq3A_559 : i32
    %jit3A_561 = arith.constant 1 : i32
    %select_n3A_562 = arith.select %eq3A_560, %jit3A_561, %select_n3A_558 : i32
    %eq3A_563 = arith.constant 17 : i32
    %eq3A_564 = arith.cmpi eq, %add3A, %eq3A_563 : i32
    %jit3A_565 = arith.constant 1 : i32
    %select_n3A_566 = arith.select %eq3A_564, %jit3A_565, %select_n3A_562 : i32
    %eq3A_567 = arith.constant 18 : i32
    %eq3A_568 = arith.cmpi eq, %add3A, %eq3A_567 : i32
    %jit3A_569 = arith.constant 0 : i32
    %select_n3A_570 = arith.select %eq3A_568, %jit3A_569, %select_n3A_566 : i32
    %eq3A_571 = arith.constant 19 : i32
    %eq3A_572 = arith.cmpi eq, %add3A, %eq3A_571 : i32
    %jit3A_573 = arith.constant 0 : i32
    %select_n3A_574 = arith.select %eq3A_572, %jit3A_573, %select_n3A_570 : i32
    %eq3A_575 = arith.constant 20 : i32
    %eq3A_576 = arith.cmpi eq, %add3A, %eq3A_575 : i32
    %jit3A_577 = arith.constant 0 : i32
    %select_n3A_578 = arith.select %eq3A_576, %jit3A_577, %select_n3A_574 : i32
    %eq3A_579 = arith.constant 21 : i32
    %eq3A_580 = arith.cmpi eq, %add3A, %eq3A_579 : i32
    %jit3A_581 = arith.constant 0 : i32
    %select_n3A_582 = arith.select %eq3A_580, %jit3A_581, %select_n3A_578 : i32
    %eq3A_583 = arith.constant 22 : i32
    %eq3A_584 = arith.cmpi eq, %add3A, %eq3A_583 : i32
    %jit3A_585 = arith.constant 1 : i32
    %select_n3A_586 = arith.select %eq3A_584, %jit3A_585, %select_n3A_582 : i32
    %eq3A_587 = arith.constant 23 : i32
    %eq3A_588 = arith.cmpi eq, %add3A, %eq3A_587 : i32
    %jit3A_589 = arith.constant 1 : i32
    %select_n3A_590 = arith.select %eq3A_588, %jit3A_589, %select_n3A_586 : i32
    %eq3A_591 = arith.constant 24 : i32
    %eq3A_592 = arith.cmpi eq, %add3A, %eq3A_591 : i32
    %jit3A_593 = arith.constant 0 : i32
    %select_n3A_594 = arith.select %eq3A_592, %jit3A_593, %select_n3A_590 : i32
    %eq3A_595 = arith.constant 25 : i32
    %eq3A_596 = arith.cmpi eq, %add3A, %eq3A_595 : i32
    %jit3A_597 = arith.constant 0 : i32
    %select_n3A_598 = arith.select %eq3A_596, %jit3A_597, %select_n3A_594 : i32
    %eq3A_599 = arith.constant 26 : i32
    %eq3A_600 = arith.cmpi eq, %add3A, %eq3A_599 : i32
    %jit3A_601 = arith.constant 1 : i32
    %select_n3A_602 = arith.select %eq3A_600, %jit3A_601, %select_n3A_598 : i32
    %eq3A_603 = arith.constant 27 : i32
    %eq3A_604 = arith.cmpi eq, %add3A, %eq3A_603 : i32
    %jit3A_605 = arith.constant 1 : i32
    %select_n3A_606 = arith.select %eq3A_604, %jit3A_605, %select_n3A_602 : i32
    %eq3A_607 = arith.constant 28 : i32
    %eq3A_608 = arith.cmpi eq, %add3A, %eq3A_607 : i32
    %jit3A_609 = arith.constant 1 : i32
    %select_n3A_610 = arith.select %eq3A_608, %jit3A_609, %select_n3A_606 : i32
    %eq3A_611 = arith.constant 29 : i32
    %eq3A_612 = arith.cmpi eq, %add3A, %eq3A_611 : i32
    %jit3A_613 = arith.constant 0 : i32
    %select_n3A_614 = arith.select %eq3A_612, %jit3A_613, %select_n3A_610 : i32
    %eq3A_615 = arith.constant 30 : i32
    %eq3A_616 = arith.cmpi eq, %add3A, %eq3A_615 : i32
    %jit3A_617 = arith.constant 1 : i32
    %select_n3A_618 = arith.select %eq3A_616, %jit3A_617, %select_n3A_614 : i32
    %eq3A_619 = arith.constant 31 : i32
    %eq3A_620 = arith.cmpi eq, %add3A, %eq3A_619 : i32
    %jit3A_621 = arith.constant 1 : i32
    %select_n3A_622 = arith.select %eq3A_620, %jit3A_621, %select_n3A_618 : i32
    %ne3A = arith.constant 0 : i32
    %ne3A_623 = arith.cmpi ne, %select_n3A_622, %ne3A : i32
    %eq3A_624 = arith.constant 1 : i32
    %eq3A_625 = arith.cmpi eq, %add3A, %eq3A_624 : i32
    %jit3A_626 = arith.constant 0 : i32
    %jit3A_627 = arith.constant 1 : i32
    %select_n3A_628 = arith.select %eq3A_625, %jit3A_626, %jit3A_627 : i32
    %eq3A_629 = arith.constant 2 : i32
    %eq3A_630 = arith.cmpi eq, %add3A, %eq3A_629 : i32
    %jit3A_631 = arith.constant 0 : i32
    %select_n3A_632 = arith.select %eq3A_630, %jit3A_631, %select_n3A_628 : i32
    %eq3A_633 = arith.constant 3 : i32
    %eq3A_634 = arith.cmpi eq, %add3A, %eq3A_633 : i32
    %jit3A_635 = arith.constant 1 : i32
    %select_n3A_636 = arith.select %eq3A_634, %jit3A_635, %select_n3A_632 : i32
    %eq3A_637 = arith.constant 4 : i32
    %eq3A_638 = arith.cmpi eq, %add3A, %eq3A_637 : i32
    %jit3A_639 = arith.constant 0 : i32
    %select_n3A_640 = arith.select %eq3A_638, %jit3A_639, %select_n3A_636 : i32
    %eq3A_641 = arith.constant 5 : i32
    %eq3A_642 = arith.cmpi eq, %add3A, %eq3A_641 : i32
    %jit3A_643 = arith.constant 0 : i32
    %select_n3A_644 = arith.select %eq3A_642, %jit3A_643, %select_n3A_640 : i32
    %eq3A_645 = arith.constant 6 : i32
    %eq3A_646 = arith.cmpi eq, %add3A, %eq3A_645 : i32
    %jit3A_647 = arith.constant 0 : i32
    %select_n3A_648 = arith.select %eq3A_646, %jit3A_647, %select_n3A_644 : i32
    %eq3A_649 = arith.constant 7 : i32
    %eq3A_650 = arith.cmpi eq, %add3A, %eq3A_649 : i32
    %jit3A_651 = arith.constant 1 : i32
    %select_n3A_652 = arith.select %eq3A_650, %jit3A_651, %select_n3A_648 : i32
    %eq3A_653 = arith.constant 8 : i32
    %eq3A_654 = arith.cmpi eq, %add3A, %eq3A_653 : i32
    %jit3A_655 = arith.constant 0 : i32
    %select_n3A_656 = arith.select %eq3A_654, %jit3A_655, %select_n3A_652 : i32
    %eq3A_657 = arith.constant 9 : i32
    %eq3A_658 = arith.cmpi eq, %add3A, %eq3A_657 : i32
    %jit3A_659 = arith.constant 0 : i32
    %select_n3A_660 = arith.select %eq3A_658, %jit3A_659, %select_n3A_656 : i32
    %eq3A_661 = arith.constant 10 : i32
    %eq3A_662 = arith.cmpi eq, %add3A, %eq3A_661 : i32
    %jit3A_663 = arith.constant 0 : i32
    %select_n3A_664 = arith.select %eq3A_662, %jit3A_663, %select_n3A_660 : i32
    %eq3A_665 = arith.constant 11 : i32
    %eq3A_666 = arith.cmpi eq, %add3A, %eq3A_665 : i32
    %jit3A_667 = arith.constant 1 : i32
    %select_n3A_668 = arith.select %eq3A_666, %jit3A_667, %select_n3A_664 : i32
    %eq3A_669 = arith.constant 12 : i32
    %eq3A_670 = arith.cmpi eq, %add3A, %eq3A_669 : i32
    %jit3A_671 = arith.constant 0 : i32
    %select_n3A_672 = arith.select %eq3A_670, %jit3A_671, %select_n3A_668 : i32
    %eq3A_673 = arith.constant 13 : i32
    %eq3A_674 = arith.cmpi eq, %add3A, %eq3A_673 : i32
    %jit3A_675 = arith.constant 0 : i32
    %select_n3A_676 = arith.select %eq3A_674, %jit3A_675, %select_n3A_672 : i32
    %eq3A_677 = arith.constant 14 : i32
    %eq3A_678 = arith.cmpi eq, %add3A, %eq3A_677 : i32
    %jit3A_679 = arith.constant 0 : i32
    %select_n3A_680 = arith.select %eq3A_678, %jit3A_679, %select_n3A_676 : i32
    %eq3A_681 = arith.constant 15 : i32
    %eq3A_682 = arith.cmpi eq, %add3A, %eq3A_681 : i32
    %jit3A_683 = arith.constant 0 : i32
    %select_n3A_684 = arith.select %eq3A_682, %jit3A_683, %select_n3A_680 : i32
    %eq3A_685 = arith.constant 16 : i32
    %eq3A_686 = arith.cmpi eq, %add3A, %eq3A_685 : i32
    %jit3A_687 = arith.constant 1 : i32
    %select_n3A_688 = arith.select %eq3A_686, %jit3A_687, %select_n3A_684 : i32
    %eq3A_689 = arith.constant 17 : i32
    %eq3A_690 = arith.cmpi eq, %add3A, %eq3A_689 : i32
    %jit3A_691 = arith.constant 1 : i32
    %select_n3A_692 = arith.select %eq3A_690, %jit3A_691, %select_n3A_688 : i32
    %eq3A_693 = arith.constant 18 : i32
    %eq3A_694 = arith.cmpi eq, %add3A, %eq3A_693 : i32
    %jit3A_695 = arith.constant 0 : i32
    %select_n3A_696 = arith.select %eq3A_694, %jit3A_695, %select_n3A_692 : i32
    %eq3A_697 = arith.constant 19 : i32
    %eq3A_698 = arith.cmpi eq, %add3A, %eq3A_697 : i32
    %jit3A_699 = arith.constant 0 : i32
    %select_n3A_700 = arith.select %eq3A_698, %jit3A_699, %select_n3A_696 : i32
    %eq3A_701 = arith.constant 20 : i32
    %eq3A_702 = arith.cmpi eq, %add3A, %eq3A_701 : i32
    %jit3A_703 = arith.constant 0 : i32
    %select_n3A_704 = arith.select %eq3A_702, %jit3A_703, %select_n3A_700 : i32
    %eq3A_705 = arith.constant 21 : i32
    %eq3A_706 = arith.cmpi eq, %add3A, %eq3A_705 : i32
    %jit3A_707 = arith.constant 0 : i32
    %select_n3A_708 = arith.select %eq3A_706, %jit3A_707, %select_n3A_704 : i32
    %eq3A_709 = arith.constant 22 : i32
    %eq3A_710 = arith.cmpi eq, %add3A, %eq3A_709 : i32
    %jit3A_711 = arith.constant 0 : i32
    %select_n3A_712 = arith.select %eq3A_710, %jit3A_711, %select_n3A_708 : i32
    %eq3A_713 = arith.constant 23 : i32
    %eq3A_714 = arith.cmpi eq, %add3A, %eq3A_713 : i32
    %jit3A_715 = arith.constant 1 : i32
    %select_n3A_716 = arith.select %eq3A_714, %jit3A_715, %select_n3A_712 : i32
    %eq3A_717 = arith.constant 24 : i32
    %eq3A_718 = arith.cmpi eq, %add3A, %eq3A_717 : i32
    %jit3A_719 = arith.constant 0 : i32
    %select_n3A_720 = arith.select %eq3A_718, %jit3A_719, %select_n3A_716 : i32
    %eq3A_721 = arith.constant 25 : i32
    %eq3A_722 = arith.cmpi eq, %add3A, %eq3A_721 : i32
    %jit3A_723 = arith.constant 0 : i32
    %select_n3A_724 = arith.select %eq3A_722, %jit3A_723, %select_n3A_720 : i32
    %eq3A_725 = arith.constant 26 : i32
    %eq3A_726 = arith.cmpi eq, %add3A, %eq3A_725 : i32
    %jit3A_727 = arith.constant 1 : i32
    %select_n3A_728 = arith.select %eq3A_726, %jit3A_727, %select_n3A_724 : i32
    %eq3A_729 = arith.constant 27 : i32
    %eq3A_730 = arith.cmpi eq, %add3A, %eq3A_729 : i32
    %jit3A_731 = arith.constant 1 : i32
    %select_n3A_732 = arith.select %eq3A_730, %jit3A_731, %select_n3A_728 : i32
    %eq3A_733 = arith.constant 28 : i32
    %eq3A_734 = arith.cmpi eq, %add3A, %eq3A_733 : i32
    %jit3A_735 = arith.constant 0 : i32
    %select_n3A_736 = arith.select %eq3A_734, %jit3A_735, %select_n3A_732 : i32
    %eq3A_737 = arith.constant 29 : i32
    %eq3A_738 = arith.cmpi eq, %add3A, %eq3A_737 : i32
    %jit3A_739 = arith.constant 0 : i32
    %select_n3A_740 = arith.select %eq3A_738, %jit3A_739, %select_n3A_736 : i32
    %eq3A_741 = arith.constant 30 : i32
    %eq3A_742 = arith.cmpi eq, %add3A, %eq3A_741 : i32
    %jit3A_743 = arith.constant 0 : i32
    %select_n3A_744 = arith.select %eq3A_742, %jit3A_743, %select_n3A_740 : i32
    %eq3A_745 = arith.constant 31 : i32
    %eq3A_746 = arith.cmpi eq, %add3A, %eq3A_745 : i32
    %jit3A_747 = arith.constant 1 : i32
    %select_n3A_748 = arith.select %eq3A_746, %jit3A_747, %select_n3A_744 : i32
    %ne3A_749 = arith.constant 0 : i32
    %ne3A_750 = arith.cmpi ne, %select_n3A_748, %ne3A_749 : i32
    %eq3A_751 = arith.constant 1 : i32
    %eq3A_752 = arith.cmpi eq, %add3A, %eq3A_751 : i32
    %jit3A_753 = arith.constant 0 : i32
    %jit3A_754 = arith.constant 0 : i32
    %select_n3A_755 = arith.select %eq3A_752, %jit3A_753, %jit3A_754 : i32
    %eq3A_756 = arith.constant 2 : i32
    %eq3A_757 = arith.cmpi eq, %add3A, %eq3A_756 : i32
    %jit3A_758 = arith.constant 0 : i32
    %select_n3A_759 = arith.select %eq3A_757, %jit3A_758, %select_n3A_755 : i32
    %eq3A_760 = arith.constant 3 : i32
    %eq3A_761 = arith.cmpi eq, %add3A, %eq3A_760 : i32
    %jit3A_762 = arith.constant 0 : i32
    %select_n3A_763 = arith.select %eq3A_761, %jit3A_762, %select_n3A_759 : i32
    %eq3A_764 = arith.constant 4 : i32
    %eq3A_765 = arith.cmpi eq, %add3A, %eq3A_764 : i32
    %jit3A_766 = arith.constant 0 : i32
    %select_n3A_767 = arith.select %eq3A_765, %jit3A_766, %select_n3A_763 : i32
    %eq3A_768 = arith.constant 5 : i32
    %eq3A_769 = arith.cmpi eq, %add3A, %eq3A_768 : i32
    %jit3A_770 = arith.constant 0 : i32
    %select_n3A_771 = arith.select %eq3A_769, %jit3A_770, %select_n3A_767 : i32
    %eq3A_772 = arith.constant 6 : i32
    %eq3A_773 = arith.cmpi eq, %add3A, %eq3A_772 : i32
    %jit3A_774 = arith.constant 0 : i32
    %select_n3A_775 = arith.select %eq3A_773, %jit3A_774, %select_n3A_771 : i32
    %eq3A_776 = arith.constant 7 : i32
    %eq3A_777 = arith.cmpi eq, %add3A, %eq3A_776 : i32
    %jit3A_778 = arith.constant 0 : i32
    %select_n3A_779 = arith.select %eq3A_777, %jit3A_778, %select_n3A_775 : i32
    %eq3A_780 = arith.constant 8 : i32
    %eq3A_781 = arith.cmpi eq, %add3A, %eq3A_780 : i32
    %jit3A_782 = arith.constant 0 : i32
    %select_n3A_783 = arith.select %eq3A_781, %jit3A_782, %select_n3A_779 : i32
    %eq3A_784 = arith.constant 9 : i32
    %eq3A_785 = arith.cmpi eq, %add3A, %eq3A_784 : i32
    %jit3A_786 = arith.constant 0 : i32
    %select_n3A_787 = arith.select %eq3A_785, %jit3A_786, %select_n3A_783 : i32
    %eq3A_788 = arith.constant 10 : i32
    %eq3A_789 = arith.cmpi eq, %add3A, %eq3A_788 : i32
    %jit3A_790 = arith.constant 0 : i32
    %select_n3A_791 = arith.select %eq3A_789, %jit3A_790, %select_n3A_787 : i32
    %eq3A_792 = arith.constant 11 : i32
    %eq3A_793 = arith.cmpi eq, %add3A, %eq3A_792 : i32
    %jit3A_794 = arith.constant 0 : i32
    %select_n3A_795 = arith.select %eq3A_793, %jit3A_794, %select_n3A_791 : i32
    %eq3A_796 = arith.constant 12 : i32
    %eq3A_797 = arith.cmpi eq, %add3A, %eq3A_796 : i32
    %jit3A_798 = arith.constant 0 : i32
    %select_n3A_799 = arith.select %eq3A_797, %jit3A_798, %select_n3A_795 : i32
    %eq3A_800 = arith.constant 13 : i32
    %eq3A_801 = arith.cmpi eq, %add3A, %eq3A_800 : i32
    %jit3A_802 = arith.constant 0 : i32
    %select_n3A_803 = arith.select %eq3A_801, %jit3A_802, %select_n3A_799 : i32
    %eq3A_804 = arith.constant 14 : i32
    %eq3A_805 = arith.cmpi eq, %add3A, %eq3A_804 : i32
    %jit3A_806 = arith.constant 1 : i32
    %select_n3A_807 = arith.select %eq3A_805, %jit3A_806, %select_n3A_803 : i32
    %eq3A_808 = arith.constant 15 : i32
    %eq3A_809 = arith.cmpi eq, %add3A, %eq3A_808 : i32
    %jit3A_810 = arith.constant 1 : i32
    %select_n3A_811 = arith.select %eq3A_809, %jit3A_810, %select_n3A_807 : i32
    %eq3A_812 = arith.constant 16 : i32
    %eq3A_813 = arith.cmpi eq, %add3A, %eq3A_812 : i32
    %jit3A_814 = arith.constant 0 : i32
    %select_n3A_815 = arith.select %eq3A_813, %jit3A_814, %select_n3A_811 : i32
    %eq3A_816 = arith.constant 17 : i32
    %eq3A_817 = arith.cmpi eq, %add3A, %eq3A_816 : i32
    %jit3A_818 = arith.constant 0 : i32
    %select_n3A_819 = arith.select %eq3A_817, %jit3A_818, %select_n3A_815 : i32
    %eq3A_820 = arith.constant 18 : i32
    %eq3A_821 = arith.cmpi eq, %add3A, %eq3A_820 : i32
    %jit3A_822 = arith.constant 0 : i32
    %select_n3A_823 = arith.select %eq3A_821, %jit3A_822, %select_n3A_819 : i32
    %eq3A_824 = arith.constant 19 : i32
    %eq3A_825 = arith.cmpi eq, %add3A, %eq3A_824 : i32
    %jit3A_826 = arith.constant 0 : i32
    %select_n3A_827 = arith.select %eq3A_825, %jit3A_826, %select_n3A_823 : i32
    %eq3A_828 = arith.constant 20 : i32
    %eq3A_829 = arith.cmpi eq, %add3A, %eq3A_828 : i32
    %jit3A_830 = arith.constant 0 : i32
    %select_n3A_831 = arith.select %eq3A_829, %jit3A_830, %select_n3A_827 : i32
    %eq3A_832 = arith.constant 21 : i32
    %eq3A_833 = arith.cmpi eq, %add3A, %eq3A_832 : i32
    %jit3A_834 = arith.constant 1 : i32
    %select_n3A_835 = arith.select %eq3A_833, %jit3A_834, %select_n3A_831 : i32
    %eq3A_836 = arith.constant 22 : i32
    %eq3A_837 = arith.cmpi eq, %add3A, %eq3A_836 : i32
    %jit3A_838 = arith.constant 0 : i32
    %select_n3A_839 = arith.select %eq3A_837, %jit3A_838, %select_n3A_835 : i32
    %eq3A_840 = arith.constant 23 : i32
    %eq3A_841 = arith.cmpi eq, %add3A, %eq3A_840 : i32
    %jit3A_842 = arith.constant 0 : i32
    %select_n3A_843 = arith.select %eq3A_841, %jit3A_842, %select_n3A_839 : i32
    %eq3A_844 = arith.constant 24 : i32
    %eq3A_845 = arith.cmpi eq, %add3A, %eq3A_844 : i32
    %jit3A_846 = arith.constant 0 : i32
    %select_n3A_847 = arith.select %eq3A_845, %jit3A_846, %select_n3A_843 : i32
    %eq3A_848 = arith.constant 25 : i32
    %eq3A_849 = arith.cmpi eq, %add3A, %eq3A_848 : i32
    %jit3A_850 = arith.constant 0 : i32
    %select_n3A_851 = arith.select %eq3A_849, %jit3A_850, %select_n3A_847 : i32
    %eq3A_852 = arith.constant 26 : i32
    %eq3A_853 = arith.cmpi eq, %add3A, %eq3A_852 : i32
    %jit3A_854 = arith.constant 0 : i32
    %select_n3A_855 = arith.select %eq3A_853, %jit3A_854, %select_n3A_851 : i32
    %eq3A_856 = arith.constant 27 : i32
    %eq3A_857 = arith.cmpi eq, %add3A, %eq3A_856 : i32
    %jit3A_858 = arith.constant 0 : i32
    %select_n3A_859 = arith.select %eq3A_857, %jit3A_858, %select_n3A_855 : i32
    %eq3A_860 = arith.constant 28 : i32
    %eq3A_861 = arith.cmpi eq, %add3A, %eq3A_860 : i32
    %jit3A_862 = arith.constant 0 : i32
    %select_n3A_863 = arith.select %eq3A_861, %jit3A_862, %select_n3A_859 : i32
    %eq3A_864 = arith.constant 29 : i32
    %eq3A_865 = arith.cmpi eq, %add3A, %eq3A_864 : i32
    %jit3A_866 = arith.constant 0 : i32
    %select_n3A_867 = arith.select %eq3A_865, %jit3A_866, %select_n3A_863 : i32
    %eq3A_868 = arith.constant 30 : i32
    %eq3A_869 = arith.cmpi eq, %add3A, %eq3A_868 : i32
    %jit3A_870 = arith.constant 0 : i32
    %select_n3A_871 = arith.select %eq3A_869, %jit3A_870, %select_n3A_867 : i32
    %eq3A_872 = arith.constant 31 : i32
    %eq3A_873 = arith.cmpi eq, %add3A, %eq3A_872 : i32
    %jit3A_874 = arith.constant 0 : i32
    %select_n3A_875 = arith.select %eq3A_873, %jit3A_874, %select_n3A_871 : i32
    %ne3A_876 = arith.constant 0 : i32
    %ne3A_877 = arith.cmpi ne, %select_n3A_875, %ne3A_876 : i32
    %dma_start3A = arith.constant 0 : i32
    %dma_start3A_878 = arith.constant 0 : i32
    %dma_start3A_879 = arith.constant 0 : i32
    %dma_start3A_880 = arith.constant 0 : i32
    %dma_start3A_881 = tpu.memref_slice %arg6[%dma_start3A, %dma_start3A_879, %dma_start3A_880] : memref<3x128x256xf32, #tpu.memory_space<vmem>> -> memref<1x128x256xf32, #tpu.memory_space<vmem>>
    %dma_start3A_882 = tpu.memref_squeeze %dma_start3A_881 : memref<1x128x256xf32, #tpu.memory_space<vmem>> -> memref<128x256xf32, #tpu.memory_space<vmem>>
    %dma_start3A_883 = arith.constant 0 : i32
    %dma_start3A_884 = arith.constant 0 : i32
    %dma_start3A_885 = tpu.memref_slice %arg2[%add3A, %dma_start3A_883, %dma_start3A_884] : memref<32x256x256xf32, #tpu.memory_space<hbm>> -> memref<1x128x256xf32, #tpu.memory_space<hbm>>
    %dma_start3A_886 = tpu.memref_squeeze %dma_start3A_885 : memref<1x128x256xf32, #tpu.memory_space<hbm>> -> memref<128x256xf32, #tpu.memory_space<hbm>>
    %dma_start3A_887 = tpu.memref_slice %arg7[%dma_start3A_878] : memref<3x!tpu.dma_semaphore, #tpu.memory_space<semaphore_mem>> -> memref<1x!tpu.dma_semaphore, #tpu.memory_space<semaphore_mem>>
    %dma_start3A_888 = tpu.memref_squeeze %dma_start3A_887 : memref<1x!tpu.dma_semaphore, #tpu.memory_space<semaphore_mem>> -> memref<!tpu.dma_semaphore, #tpu.memory_space<semaphore_mem>>
    %dma_start3A_889 = arith.constant 0 : i32
    %dma_start3A_890 = arith.constant 0 : i32
    %dma_start3A_891 = tpu.memref_slice %arg6[%dma_start3A, %dma_start3A_889, %dma_start3A_890] : memref<3x128x256xf32, #tpu.memory_space<vmem>> -> memref<1x128x256xf32, #tpu.memory_space<vmem>>
    %dma_start3A_892 = tpu.memref_squeeze %dma_start3A_891 : memref<1x128x256xf32, #tpu.memory_space<vmem>> -> memref<128x256xf32, #tpu.memory_space<vmem>>
    %dma_start3A_893 = arith.constant 0 : i32
    %dma_start3A_894 = arith.constant 0 : i32
    %dma_start3A_895 = tpu.memref_slice %arg2[%add3A, %dma_start3A_893, %dma_start3A_894] : memref<32x256x256xf32, #tpu.memory_space<hbm>> -> memref<1x128x256xf32, #tpu.memory_space<hbm>>
    %dma_start3A_896 = tpu.memref_squeeze %dma_start3A_895 : memref<1x128x256xf32, #tpu.memory_space<hbm>> -> memref<128x256xf32, #tpu.memory_space<hbm>>
    tpu.enqueue_dma source(%dma_start3A_896 : memref<128x256xf32, #tpu.memory_space<hbm>>) target(%dma_start3A_892 : memref<128x256xf32, #tpu.memory_space<vmem>>) target_semaphore(%dma_start3A_888 : memref<!tpu.dma_semaphore, #tpu.memory_space<semaphore_mem>>)
    %dma_start3A_897 = arith.constant 1 : i32
    %dma_start3A_898 = arith.constant 1 : i32
    %dma_start3A_899 = arith.constant 0 : i32
    %dma_start3A_900 = arith.constant 0 : i32
    %dma_start3A_901 = tpu.memref_slice %arg6[%dma_start3A_897, %dma_start3A_899, %dma_start3A_900] : memref<3x128x256xf32, #tpu.memory_space<vmem>> -> memref<1x128x256xf32, #tpu.memory_space<vmem>>
    %dma_start3A_902 = tpu.memref_squeeze %dma_start3A_901 : memref<1x128x256xf32, #tpu.memory_space<vmem>> -> memref<128x256xf32, #tpu.memory_space<vmem>>
    %dma_start3A_903 = arith.constant 0 : i32
    %dma_start3A_904 = arith.constant 0 : i32
    %dma_start3A_905 = tpu.memref_slice %arg3[%select_n3A_122, %dma_start3A_903, %dma_start3A_904] : memref<1000x256x256xf32, #tpu.memory_space<hbm>> -> memref<1x128x256xf32, #tpu.memory_space<hbm>>
    %dma_start3A_906 = tpu.memref_squeeze %dma_start3A_905 : memref<1x128x256xf32, #tpu.memory_space<hbm>> -> memref<128x256xf32, #tpu.memory_space<hbm>>
    %dma_start3A_907 = tpu.memref_slice %arg7[%dma_start3A_898] : memref<3x!tpu.dma_semaphore, #tpu.memory_space<semaphore_mem>> -> memref<1x!tpu.dma_semaphore, #tpu.memory_space<semaphore_mem>>
    %dma_start3A_908 = tpu.memref_squeeze %dma_start3A_907 : memref<1x!tpu.dma_semaphore, #tpu.memory_space<semaphore_mem>> -> memref<!tpu.dma_semaphore, #tpu.memory_space<semaphore_mem>>
    %dma_start3A_909 = arith.constant 0 : i32
    %dma_start3A_910 = arith.constant 0 : i32
    %dma_start3A_911 = tpu.memref_slice %arg6[%dma_start3A_897, %dma_start3A_909, %dma_start3A_910] : memref<3x128x256xf32, #tpu.memory_space<vmem>> -> memref<1x128x256xf32, #tpu.memory_space<vmem>>
    %dma_start3A_912 = tpu.memref_squeeze %dma_start3A_911 : memref<1x128x256xf32, #tpu.memory_space<vmem>> -> memref<128x256xf32, #tpu.memory_space<vmem>>
    %dma_start3A_913 = arith.constant 0 : i32
    %dma_start3A_914 = arith.constant 0 : i32
    %dma_start3A_915 = tpu.memref_slice %arg3[%select_n3A_122, %dma_start3A_913, %dma_start3A_914] : memref<1000x256x256xf32, #tpu.memory_space<hbm>> -> memref<1x128x256xf32, #tpu.memory_space<hbm>>
    %dma_start3A_916 = tpu.memref_squeeze %dma_start3A_915 : memref<1x128x256xf32, #tpu.memory_space<hbm>> -> memref<128x256xf32, #tpu.memory_space<hbm>>
    tpu.enqueue_dma source(%dma_start3A_916 : memref<128x256xf32, #tpu.memory_space<hbm>>) target(%dma_start3A_912 : memref<128x256xf32, #tpu.memory_space<vmem>>) target_semaphore(%dma_start3A_908 : memref<!tpu.dma_semaphore, #tpu.memory_space<semaphore_mem>>)
    %convert_element_type3A = arith.extui %ne3A_877 : i1 to i32
    %cond3A = arith.constant 2 : i32
    %cond3A_917 = arith.constant 2 : i32
    %cond3A_918 = arith.constant 0 : i32
    %cond3A_919 = arith.cmpi ne, %convert_element_type3A, %cond3A_918 : i32
    scf.if %cond3A_919 {
      %dma_start3A_1378 = arith.constant 0 : i32
      %dma_start3A_1379 = arith.constant 0 : i32
      %dma_start3A_1380 = tpu.memref_slice %arg6[%cond3A, %dma_start3A_1378, %dma_start3A_1379] : memref<3x128x256xf32, #tpu.memory_space<vmem>> -> memref<1x128x256xf32, #tpu.memory_space<vmem>>
      %dma_start3A_1381 = tpu.memref_squeeze %dma_start3A_1380 : memref<1x128x256xf32, #tpu.memory_space<vmem>> -> memref<128x256xf32, #tpu.memory_space<vmem>>
      %dma_start3A_1382 = arith.constant 0 : i32
      %dma_start3A_1383 = arith.constant 0 : i32
      %dma_start3A_1384 = tpu.memref_slice %arg2[%select_n3A_247, %dma_start3A_1382, %dma_start3A_1383] : memref<32x256x256xf32, #tpu.memory_space<hbm>> -> memref<1x128x256xf32, #tpu.memory_space<hbm>>
      %dma_start3A_1385 = tpu.memref_squeeze %dma_start3A_1384 : memref<1x128x256xf32, #tpu.memory_space<hbm>> -> memref<128x256xf32, #tpu.memory_space<hbm>>
      %dma_start3A_1386 = tpu.memref_slice %arg7[%cond3A_917] : memref<3x!tpu.dma_semaphore, #tpu.memory_space<semaphore_mem>> -> memref<1x!tpu.dma_semaphore, #tpu.memory_space<semaphore_mem>>
      %dma_start3A_1387 = tpu.memref_squeeze %dma_start3A_1386 : memref<1x!tpu.dma_semaphore, #tpu.memory_space<semaphore_mem>> -> memref<!tpu.dma_semaphore, #tpu.memory_space<semaphore_mem>>
      %dma_start3A_1388 = arith.constant 0 : i32
      %dma_start3A_1389 = arith.constant 0 : i32
      %dma_start3A_1390 = tpu.memref_slice %arg6[%cond3A, %dma_start3A_1388, %dma_start3A_1389] : memref<3x128x256xf32, #tpu.memory_space<vmem>> -> memref<1x128x256xf32, #tpu.memory_space<vmem>>
      %dma_start3A_1391 = tpu.memref_squeeze %dma_start3A_1390 : memref<1x128x256xf32, #tpu.memory_space<vmem>> -> memref<128x256xf32, #tpu.memory_space<vmem>>
      %dma_start3A_1392 = arith.constant 0 : i32
      %dma_start3A_1393 = arith.constant 0 : i32
      %dma_start3A_1394 = tpu.memref_slice %arg2[%select_n3A_247, %dma_start3A_1392, %dma_start3A_1393] : memref<32x256x256xf32, #tpu.memory_space<hbm>> -> memref<1x128x256xf32, #tpu.memory_space<hbm>>
      %dma_start3A_1395 = tpu.memref_squeeze %dma_start3A_1394 : memref<1x128x256xf32, #tpu.memory_space<hbm>> -> memref<128x256xf32, #tpu.memory_space<hbm>>
      tpu.enqueue_dma source(%dma_start3A_1395 : memref<128x256xf32, #tpu.memory_space<hbm>>) target(%dma_start3A_1391 : memref<128x256xf32, #tpu.memory_space<vmem>>) target_semaphore(%dma_start3A_1387 : memref<!tpu.dma_semaphore, #tpu.memory_space<semaphore_mem>>)
    } else {
    }
    %dma_wait3A = arith.constant 0 : i32
    %dma_wait3A_920 = arith.constant 0 : i32
    %dma_wait3A_921 = arith.constant 0 : i32
    %dma_wait3A_922 = arith.constant 0 : i32
    %dma_wait3A_923 = tpu.memref_slice %arg6[%dma_wait3A, %dma_wait3A_921, %dma_wait3A_922] : memref<3x128x256xf32, #tpu.memory_space<vmem>> -> memref<1x128x256xf32, #tpu.memory_space<vmem>>
    %dma_wait3A_924 = tpu.memref_squeeze %dma_wait3A_923 : memref<1x128x256xf32, #tpu.memory_space<vmem>> -> memref<128x256xf32, #tpu.memory_space<vmem>>
    %dma_wait3A_925 = arith.constant 0 : i32
    %dma_wait3A_926 = arith.constant 0 : i32
    %dma_wait3A_927 = tpu.memref_slice %arg2[%add3A, %dma_wait3A_925, %dma_wait3A_926] : memref<32x256x256xf32, #tpu.memory_space<hbm>> -> memref<1x128x256xf32, #tpu.memory_space<hbm>>
    %dma_wait3A_928 = tpu.memref_squeeze %dma_wait3A_927 : memref<1x128x256xf32, #tpu.memory_space<hbm>> -> memref<128x256xf32, #tpu.memory_space<hbm>>
    %dma_wait3A_929 = tpu.memref_slice %arg7[%dma_wait3A_920] : memref<3x!tpu.dma_semaphore, #tpu.memory_space<semaphore_mem>> -> memref<1x!tpu.dma_semaphore, #tpu.memory_space<semaphore_mem>>
    %dma_wait3A_930 = tpu.memref_squeeze %dma_wait3A_929 : memref<1x!tpu.dma_semaphore, #tpu.memory_space<semaphore_mem>> -> memref<!tpu.dma_semaphore, #tpu.memory_space<semaphore_mem>>
    %dma_wait3A_931 = arith.constant 0 : i32
    %dma_wait3A_932 = arith.constant 0 : i32
    %dma_wait3A_933 = tpu.memref_slice %arg6[%dma_wait3A, %dma_wait3A_931, %dma_wait3A_932] : memref<3x128x256xf32, #tpu.memory_space<vmem>> -> memref<1x128x256xf32, #tpu.memory_space<vmem>>
    %dma_wait3A_934 = tpu.memref_squeeze %dma_wait3A_933 : memref<1x128x256xf32, #tpu.memory_space<vmem>> -> memref<128x256xf32, #tpu.memory_space<vmem>>
    %dma_wait3A_935 = arith.constant 0 : i32
    %dma_wait3A_936 = arith.constant 0 : i32
    %dma_wait3A_937 = tpu.memref_slice %arg2[%add3A, %dma_wait3A_935, %dma_wait3A_936] : memref<32x256x256xf32, #tpu.memory_space<hbm>> -> memref<1x128x256xf32, #tpu.memory_space<hbm>>
    %dma_wait3A_938 = tpu.memref_squeeze %dma_wait3A_937 : memref<1x128x256xf32, #tpu.memory_space<hbm>> -> memref<128x256xf32, #tpu.memory_space<hbm>>
    tpu.wait_dma2 semaphore(%dma_wait3A_930 : memref<!tpu.dma_semaphore, #tpu.memory_space<semaphore_mem>>) src(%dma_wait3A_938 : memref<128x256xf32, #tpu.memory_space<hbm>>) dst(%dma_wait3A_934 : memref<128x256xf32, #tpu.memory_space<vmem>>)
    %dma_start3A_939 = arith.constant 0 : i32
    %dma_start3A_940 = arith.constant 0 : i32
    %dma_start3A_941 = arith.constant 0 : i32
    %dma_start3A_942 = arith.constant 0 : i32
    %dma_start3A_943 = arith.constant 0 : i32
    %dma_start3A_944 = tpu.memref_slice %arg6[%dma_start3A_939, %dma_start3A_942, %dma_start3A_943] : memref<3x128x256xf32, #tpu.memory_space<vmem>> -> memref<1x128x256xf32, #tpu.memory_space<vmem>>
    %dma_start3A_945 = tpu.memref_squeeze %dma_start3A_944 : memref<1x128x256xf32, #tpu.memory_space<vmem>> -> memref<128x256xf32, #tpu.memory_space<vmem>>
    %dma_start3A_946 = arith.constant 0 : i32
    %dma_start3A_947 = arith.constant 0 : i32
    %dma_start3A_948 = tpu.memref_slice %arg4[%add3A, %dma_start3A_940, %dma_start3A_946, %dma_start3A_947] : memref<32x2x256x256xf32, #tpu.memory_space<hbm>> -> memref<1x1x128x256xf32, #tpu.memory_space<hbm>>
    %dma_start3A_949 = tpu.memref_squeeze %dma_start3A_948 : memref<1x1x128x256xf32, #tpu.memory_space<hbm>> -> memref<128x256xf32, #tpu.memory_space<hbm>>
    %dma_start3A_950 = tpu.memref_slice %arg8[%dma_start3A_941] : memref<3x!tpu.dma_semaphore, #tpu.memory_space<semaphore_mem>> -> memref<1x!tpu.dma_semaphore, #tpu.memory_space<semaphore_mem>>
    %dma_start3A_951 = tpu.memref_squeeze %dma_start3A_950 : memref<1x!tpu.dma_semaphore, #tpu.memory_space<semaphore_mem>> -> memref<!tpu.dma_semaphore, #tpu.memory_space<semaphore_mem>>
    %dma_start3A_952 = arith.constant 0 : i32
    %dma_start3A_953 = arith.constant 0 : i32
    %dma_start3A_954 = tpu.memref_slice %arg4[%add3A, %dma_start3A_940, %dma_start3A_952, %dma_start3A_953] : memref<32x2x256x256xf32, #tpu.memory_space<hbm>> -> memref<1x1x128x256xf32, #tpu.memory_space<hbm>>
    %dma_start3A_955 = tpu.memref_squeeze %dma_start3A_954 : memref<1x1x128x256xf32, #tpu.memory_space<hbm>> -> memref<128x256xf32, #tpu.memory_space<hbm>>
    %dma_start3A_956 = arith.constant 0 : i32
    %dma_start3A_957 = arith.constant 0 : i32
    %dma_start3A_958 = tpu.memref_slice %arg6[%dma_start3A_939, %dma_start3A_956, %dma_start3A_957] : memref<3x128x256xf32, #tpu.memory_space<vmem>> -> memref<1x128x256xf32, #tpu.memory_space<vmem>>
    %dma_start3A_959 = tpu.memref_squeeze %dma_start3A_958 : memref<1x128x256xf32, #tpu.memory_space<vmem>> -> memref<128x256xf32, #tpu.memory_space<vmem>>
    tpu.enqueue_dma source(%dma_start3A_959 : memref<128x256xf32, #tpu.memory_space<vmem>>) target(%dma_start3A_955 : memref<128x256xf32, #tpu.memory_space<hbm>>) target_semaphore(%dma_start3A_951 : memref<!tpu.dma_semaphore, #tpu.memory_space<semaphore_mem>>)
    %dma_start3A_960 = arith.constant 0 : i32
    %dma_start3A_961 = arith.constant 0 : i32
    %dma_start3A_962 = arith.constant 0 : i32
    %dma_start3A_963 = arith.constant 0 : i32
    %dma_start3A_964 = arith.constant 0 : i32
    %dma_start3A_965 = tpu.memref_slice %arg6[%dma_start3A_960, %dma_start3A_963, %dma_start3A_964] : memref<3x128x256xf32, #tpu.memory_space<vmem>> -> memref<1x128x256xf32, #tpu.memory_space<vmem>>
    %dma_start3A_966 = tpu.memref_squeeze %dma_start3A_965 : memref<1x128x256xf32, #tpu.memory_space<vmem>> -> memref<128x256xf32, #tpu.memory_space<vmem>>
    %dma_start3A_967 = arith.constant 0 : i32
    %dma_start3A_968 = arith.constant 0 : i32
    %dma_start3A_969 = tpu.memref_slice %arg5[%add3A, %dma_start3A_961, %dma_start3A_967, %dma_start3A_968] : memref<32x2x256x256xf32, #tpu.memory_space<hbm>> -> memref<1x1x128x256xf32, #tpu.memory_space<hbm>>
    %dma_start3A_970 = tpu.memref_squeeze %dma_start3A_969 : memref<1x1x128x256xf32, #tpu.memory_space<hbm>> -> memref<128x256xf32, #tpu.memory_space<hbm>>
    %dma_start3A_971 = tpu.memref_slice %arg8[%dma_start3A_962] : memref<3x!tpu.dma_semaphore, #tpu.memory_space<semaphore_mem>> -> memref<1x!tpu.dma_semaphore, #tpu.memory_space<semaphore_mem>>
    %dma_start3A_972 = tpu.memref_squeeze %dma_start3A_971 : memref<1x!tpu.dma_semaphore, #tpu.memory_space<semaphore_mem>> -> memref<!tpu.dma_semaphore, #tpu.memory_space<semaphore_mem>>
    %dma_start3A_973 = arith.constant 0 : i32
    %dma_start3A_974 = arith.constant 0 : i32
    %dma_start3A_975 = tpu.memref_slice %arg5[%add3A, %dma_start3A_961, %dma_start3A_973, %dma_start3A_974] : memref<32x2x256x256xf32, #tpu.memory_space<hbm>> -> memref<1x1x128x256xf32, #tpu.memory_space<hbm>>
    %dma_start3A_976 = tpu.memref_squeeze %dma_start3A_975 : memref<1x1x128x256xf32, #tpu.memory_space<hbm>> -> memref<128x256xf32, #tpu.memory_space<hbm>>
    %dma_start3A_977 = arith.constant 0 : i32
    %dma_start3A_978 = arith.constant 0 : i32
    %dma_start3A_979 = tpu.memref_slice %arg6[%dma_start3A_960, %dma_start3A_977, %dma_start3A_978] : memref<3x128x256xf32, #tpu.memory_space<vmem>> -> memref<1x128x256xf32, #tpu.memory_space<vmem>>
    %dma_start3A_980 = tpu.memref_squeeze %dma_start3A_979 : memref<1x128x256xf32, #tpu.memory_space<vmem>> -> memref<128x256xf32, #tpu.memory_space<vmem>>
    tpu.enqueue_dma source(%dma_start3A_980 : memref<128x256xf32, #tpu.memory_space<vmem>>) target(%dma_start3A_976 : memref<128x256xf32, #tpu.memory_space<hbm>>) target_semaphore(%dma_start3A_972 : memref<!tpu.dma_semaphore, #tpu.memory_space<semaphore_mem>>)
    %convert_element_type3A_981 = arith.extui %ne3A_623 : i1 to i32
    %cond3A_982 = arith.constant 0 : i32
    %cond3A_983 = arith.constant 1 : i32
    %cond3A_984 = arith.constant 0 : i32
    %cond3A_985 = arith.constant 0 : i32
    %cond3A_986 = arith.cmpi ne, %convert_element_type3A_981, %cond3A_985 : i32
    scf.if %cond3A_986 {
      %dma_start3A_1378 = arith.constant 0 : i32
      %dma_start3A_1379 = arith.constant 0 : i32
      %dma_start3A_1380 = tpu.memref_slice %arg6[%cond3A_982, %dma_start3A_1378, %dma_start3A_1379] : memref<3x128x256xf32, #tpu.memory_space<vmem>> -> memref<1x128x256xf32, #tpu.memory_space<vmem>>
      %dma_start3A_1381 = tpu.memref_squeeze %dma_start3A_1380 : memref<1x128x256xf32, #tpu.memory_space<vmem>> -> memref<128x256xf32, #tpu.memory_space<vmem>>
      %dma_start3A_1382 = arith.constant 0 : i32
      %dma_start3A_1383 = arith.constant 0 : i32
      %dma_start3A_1384 = tpu.memref_slice %arg5[%select_n3A_372, %cond3A_983, %dma_start3A_1382, %dma_start3A_1383] : memref<32x2x256x256xf32, #tpu.memory_space<hbm>> -> memref<1x1x128x256xf32, #tpu.memory_space<hbm>>
      %dma_start3A_1385 = tpu.memref_squeeze %dma_start3A_1384 : memref<1x1x128x256xf32, #tpu.memory_space<hbm>> -> memref<128x256xf32, #tpu.memory_space<hbm>>
      %dma_start3A_1386 = tpu.memref_slice %arg8[%cond3A_984] : memref<3x!tpu.dma_semaphore, #tpu.memory_space<semaphore_mem>> -> memref<1x!tpu.dma_semaphore, #tpu.memory_space<semaphore_mem>>
      %dma_start3A_1387 = tpu.memref_squeeze %dma_start3A_1386 : memref<1x!tpu.dma_semaphore, #tpu.memory_space<semaphore_mem>> -> memref<!tpu.dma_semaphore, #tpu.memory_space<semaphore_mem>>
      %dma_start3A_1388 = arith.constant 0 : i32
      %dma_start3A_1389 = arith.constant 0 : i32
      %dma_start3A_1390 = tpu.memref_slice %arg5[%select_n3A_372, %cond3A_983, %dma_start3A_1388, %dma_start3A_1389] : memref<32x2x256x256xf32, #tpu.memory_space<hbm>> -> memref<1x1x128x256xf32, #tpu.memory_space<hbm>>
      %dma_start3A_1391 = tpu.memref_squeeze %dma_start3A_1390 : memref<1x1x128x256xf32, #tpu.memory_space<hbm>> -> memref<128x256xf32, #tpu.memory_space<hbm>>
      %dma_start3A_1392 = arith.constant 0 : i32
      %dma_start3A_1393 = arith.constant 0 : i32
      %dma_start3A_1394 = tpu.memref_slice %arg6[%cond3A_982, %dma_start3A_1392, %dma_start3A_1393] : memref<3x128x256xf32, #tpu.memory_space<vmem>> -> memref<1x128x256xf32, #tpu.memory_space<vmem>>
      %dma_start3A_1395 = tpu.memref_squeeze %dma_start3A_1394 : memref<1x128x256xf32, #tpu.memory_space<vmem>> -> memref<128x256xf32, #tpu.memory_space<vmem>>
      tpu.enqueue_dma source(%dma_start3A_1395 : memref<128x256xf32, #tpu.memory_space<vmem>>) target(%dma_start3A_1391 : memref<128x256xf32, #tpu.memory_space<hbm>>) target_semaphore(%dma_start3A_1387 : memref<!tpu.dma_semaphore, #tpu.memory_space<semaphore_mem>>)
    } else {
    }
    %convert_element_type3A_987 = arith.extui %ne3A_750 : i1 to i32
    %cond3A_988 = arith.constant 0 : i32
    %cond3A_989 = arith.constant 1 : i32
    %cond3A_990 = arith.constant 0 : i32
    %cond3A_991 = arith.constant 0 : i32
    %cond3A_992 = arith.cmpi ne, %convert_element_type3A_987, %cond3A_991 : i32
    scf.if %cond3A_992 {
      %dma_start3A_1378 = arith.constant 0 : i32
      %dma_start3A_1379 = arith.constant 0 : i32
      %dma_start3A_1380 = tpu.memref_slice %arg6[%cond3A_988, %dma_start3A_1378, %dma_start3A_1379] : memref<3x128x256xf32, #tpu.memory_space<vmem>> -> memref<1x128x256xf32, #tpu.memory_space<vmem>>
      %dma_start3A_1381 = tpu.memref_squeeze %dma_start3A_1380 : memref<1x128x256xf32, #tpu.memory_space<vmem>> -> memref<128x256xf32, #tpu.memory_space<vmem>>
      %dma_start3A_1382 = arith.constant 0 : i32
      %dma_start3A_1383 = arith.constant 0 : i32
      %dma_start3A_1384 = tpu.memref_slice %arg5[%select_n3A_497, %cond3A_989, %dma_start3A_1382, %dma_start3A_1383] : memref<32x2x256x256xf32, #tpu.memory_space<hbm>> -> memref<1x1x128x256xf32, #tpu.memory_space<hbm>>
      %dma_start3A_1385 = tpu.memref_squeeze %dma_start3A_1384 : memref<1x1x128x256xf32, #tpu.memory_space<hbm>> -> memref<128x256xf32, #tpu.memory_space<hbm>>
      %dma_start3A_1386 = tpu.memref_slice %arg8[%cond3A_990] : memref<3x!tpu.dma_semaphore, #tpu.memory_space<semaphore_mem>> -> memref<1x!tpu.dma_semaphore, #tpu.memory_space<semaphore_mem>>
      %dma_start3A_1387 = tpu.memref_squeeze %dma_start3A_1386 : memref<1x!tpu.dma_semaphore, #tpu.memory_space<semaphore_mem>> -> memref<!tpu.dma_semaphore, #tpu.memory_space<semaphore_mem>>
      %dma_start3A_1388 = arith.constant 0 : i32
      %dma_start3A_1389 = arith.constant 0 : i32
      %dma_start3A_1390 = tpu.memref_slice %arg5[%select_n3A_497, %cond3A_989, %dma_start3A_1388, %dma_start3A_1389] : memref<32x2x256x256xf32, #tpu.memory_space<hbm>> -> memref<1x1x128x256xf32, #tpu.memory_space<hbm>>
      %dma_start3A_1391 = tpu.memref_squeeze %dma_start3A_1390 : memref<1x1x128x256xf32, #tpu.memory_space<hbm>> -> memref<128x256xf32, #tpu.memory_space<hbm>>
      %dma_start3A_1392 = arith.constant 0 : i32
      %dma_start3A_1393 = arith.constant 0 : i32
      %dma_start3A_1394 = tpu.memref_slice %arg6[%cond3A_988, %dma_start3A_1392, %dma_start3A_1393] : memref<3x128x256xf32, #tpu.memory_space<vmem>> -> memref<1x128x256xf32, #tpu.memory_space<vmem>>
      %dma_start3A_1395 = tpu.memref_squeeze %dma_start3A_1394 : memref<1x128x256xf32, #tpu.memory_space<vmem>> -> memref<128x256xf32, #tpu.memory_space<vmem>>
      tpu.enqueue_dma source(%dma_start3A_1395 : memref<128x256xf32, #tpu.memory_space<vmem>>) target(%dma_start3A_1391 : memref<128x256xf32, #tpu.memory_space<hbm>>) target_semaphore(%dma_start3A_1387 : memref<!tpu.dma_semaphore, #tpu.memory_space<semaphore_mem>>)
    } else {
    }
    %dma_wait3A_993 = arith.constant 0 : i32
    %dma_wait3A_994 = arith.constant 0 : i32
    %dma_wait3A_995 = arith.constant 0 : i32
    %dma_wait3A_996 = arith.constant 0 : i32
    %dma_wait3A_997 = arith.constant 0 : i32
    %dma_wait3A_998 = tpu.memref_slice %arg6[%dma_wait3A_993, %dma_wait3A_996, %dma_wait3A_997] : memref<3x128x256xf32, #tpu.memory_space<vmem>> -> memref<1x128x256xf32, #tpu.memory_space<vmem>>
    %dma_wait3A_999 = tpu.memref_squeeze %dma_wait3A_998 : memref<1x128x256xf32, #tpu.memory_space<vmem>> -> memref<128x256xf32, #tpu.memory_space<vmem>>
    %dma_wait3A_1000 = arith.constant 0 : i32
    %dma_wait3A_1001 = arith.constant 0 : i32
    %dma_wait3A_1002 = tpu.memref_slice %arg4[%add3A, %dma_wait3A_994, %dma_wait3A_1000, %dma_wait3A_1001] : memref<32x2x256x256xf32, #tpu.memory_space<hbm>> -> memref<1x1x128x256xf32, #tpu.memory_space<hbm>>
    %dma_wait3A_1003 = tpu.memref_squeeze %dma_wait3A_1002 : memref<1x1x128x256xf32, #tpu.memory_space<hbm>> -> memref<128x256xf32, #tpu.memory_space<hbm>>
    %dma_wait3A_1004 = tpu.memref_slice %arg8[%dma_wait3A_995] : memref<3x!tpu.dma_semaphore, #tpu.memory_space<semaphore_mem>> -> memref<1x!tpu.dma_semaphore, #tpu.memory_space<semaphore_mem>>
    %dma_wait3A_1005 = tpu.memref_squeeze %dma_wait3A_1004 : memref<1x!tpu.dma_semaphore, #tpu.memory_space<semaphore_mem>> -> memref<!tpu.dma_semaphore, #tpu.memory_space<semaphore_mem>>
    %dma_wait3A_1006 = arith.constant 0 : i32
    %dma_wait3A_1007 = arith.constant 0 : i32
    %dma_wait3A_1008 = tpu.memref_slice %arg4[%add3A, %dma_wait3A_994, %dma_wait3A_1006, %dma_wait3A_1007] : memref<32x2x256x256xf32, #tpu.memory_space<hbm>> -> memref<1x1x128x256xf32, #tpu.memory_space<hbm>>
    %dma_wait3A_1009 = tpu.memref_squeeze %dma_wait3A_1008 : memref<1x1x128x256xf32, #tpu.memory_space<hbm>> -> memref<128x256xf32, #tpu.memory_space<hbm>>
    %dma_wait3A_1010 = arith.constant 0 : i32
    %dma_wait3A_1011 = arith.constant 0 : i32
    %dma_wait3A_1012 = tpu.memref_slice %arg6[%dma_wait3A_993, %dma_wait3A_1010, %dma_wait3A_1011] : memref<3x128x256xf32, #tpu.memory_space<vmem>> -> memref<1x128x256xf32, #tpu.memory_space<vmem>>
    %dma_wait3A_1013 = tpu.memref_squeeze %dma_wait3A_1012 : memref<1x128x256xf32, #tpu.memory_space<vmem>> -> memref<128x256xf32, #tpu.memory_space<vmem>>
    tpu.wait_dma2 semaphore(%dma_wait3A_1005 : memref<!tpu.dma_semaphore, #tpu.memory_space<semaphore_mem>>) src(%dma_wait3A_1013 : memref<128x256xf32, #tpu.memory_space<vmem>>) dst(%dma_wait3A_1009 : memref<128x256xf32, #tpu.memory_space<hbm>>)
    %dma_wait3A_1014 = arith.constant 0 : i32
    %dma_wait3A_1015 = arith.constant 0 : i32
    %dma_wait3A_1016 = arith.constant 0 : i32
    %dma_wait3A_1017 = arith.constant 0 : i32
    %dma_wait3A_1018 = arith.constant 0 : i32
    %dma_wait3A_1019 = tpu.memref_slice %arg6[%dma_wait3A_1014, %dma_wait3A_1017, %dma_wait3A_1018] : memref<3x128x256xf32, #tpu.memory_space<vmem>> -> memref<1x128x256xf32, #tpu.memory_space<vmem>>
    %dma_wait3A_1020 = tpu.memref_squeeze %dma_wait3A_1019 : memref<1x128x256xf32, #tpu.memory_space<vmem>> -> memref<128x256xf32, #tpu.memory_space<vmem>>
    %dma_wait3A_1021 = arith.constant 0 : i32
    %dma_wait3A_1022 = arith.constant 0 : i32
    %dma_wait3A_1023 = tpu.memref_slice %arg5[%add3A, %dma_wait3A_1015, %dma_wait3A_1021, %dma_wait3A_1022] : memref<32x2x256x256xf32, #tpu.memory_space<hbm>> -> memref<1x1x128x256xf32, #tpu.memory_space<hbm>>
    %dma_wait3A_1024 = tpu.memref_squeeze %dma_wait3A_1023 : memref<1x1x128x256xf32, #tpu.memory_space<hbm>> -> memref<128x256xf32, #tpu.memory_space<hbm>>
    %dma_wait3A_1025 = tpu.memref_slice %arg8[%dma_wait3A_1016] : memref<3x!tpu.dma_semaphore, #tpu.memory_space<semaphore_mem>> -> memref<1x!tpu.dma_semaphore, #tpu.memory_space<semaphore_mem>>
    %dma_wait3A_1026 = tpu.memref_squeeze %dma_wait3A_1025 : memref<1x!tpu.dma_semaphore, #tpu.memory_space<semaphore_mem>> -> memref<!tpu.dma_semaphore, #tpu.memory_space<semaphore_mem>>
    %dma_wait3A_1027 = arith.constant 0 : i32
    %dma_wait3A_1028 = arith.constant 0 : i32
    %dma_wait3A_1029 = tpu.memref_slice %arg5[%add3A, %dma_wait3A_1015, %dma_wait3A_1027, %dma_wait3A_1028] : memref<32x2x256x256xf32, #tpu.memory_space<hbm>> -> memref<1x1x128x256xf32, #tpu.memory_space<hbm>>
    %dma_wait3A_1030 = tpu.memref_squeeze %dma_wait3A_1029 : memref<1x1x128x256xf32, #tpu.memory_space<hbm>> -> memref<128x256xf32, #tpu.memory_space<hbm>>
    %dma_wait3A_1031 = arith.constant 0 : i32
    %dma_wait3A_1032 = arith.constant 0 : i32
    %dma_wait3A_1033 = tpu.memref_slice %arg6[%dma_wait3A_1014, %dma_wait3A_1031, %dma_wait3A_1032] : memref<3x128x256xf32, #tpu.memory_space<vmem>> -> memref<1x128x256xf32, #tpu.memory_space<vmem>>
    %dma_wait3A_1034 = tpu.memref_squeeze %dma_wait3A_1033 : memref<1x128x256xf32, #tpu.memory_space<vmem>> -> memref<128x256xf32, #tpu.memory_space<vmem>>
    tpu.wait_dma2 semaphore(%dma_wait3A_1026 : memref<!tpu.dma_semaphore, #tpu.memory_space<semaphore_mem>>) src(%dma_wait3A_1034 : memref<128x256xf32, #tpu.memory_space<vmem>>) dst(%dma_wait3A_1030 : memref<128x256xf32, #tpu.memory_space<hbm>>)
    %convert_element_type3A_1035 = arith.extui %ne3A_623 : i1 to i32
    %cond3A_1036 = arith.constant 0 : i32
    %cond3A_1037 = arith.constant 1 : i32
    %cond3A_1038 = arith.constant 0 : i32
    %cond3A_1039 = arith.constant 0 : i32
    %cond3A_1040 = arith.cmpi ne, %convert_element_type3A_1035, %cond3A_1039 : i32
    scf.if %cond3A_1040 {
      %dma_wait3A_1378 = arith.constant 0 : i32
      %dma_wait3A_1379 = arith.constant 0 : i32
      %dma_wait3A_1380 = tpu.memref_slice %arg6[%cond3A_1036, %dma_wait3A_1378, %dma_wait3A_1379] : memref<3x128x256xf32, #tpu.memory_space<vmem>> -> memref<1x128x256xf32, #tpu.memory_space<vmem>>
      %dma_wait3A_1381 = tpu.memref_squeeze %dma_wait3A_1380 : memref<1x128x256xf32, #tpu.memory_space<vmem>> -> memref<128x256xf32, #tpu.memory_space<vmem>>
      %dma_wait3A_1382 = arith.constant 0 : i32
      %dma_wait3A_1383 = arith.constant 0 : i32
      %dma_wait3A_1384 = tpu.memref_slice %arg5[%select_n3A_372, %cond3A_1037, %dma_wait3A_1382, %dma_wait3A_1383] : memref<32x2x256x256xf32, #tpu.memory_space<hbm>> -> memref<1x1x128x256xf32, #tpu.memory_space<hbm>>
      %dma_wait3A_1385 = tpu.memref_squeeze %dma_wait3A_1384 : memref<1x1x128x256xf32, #tpu.memory_space<hbm>> -> memref<128x256xf32, #tpu.memory_space<hbm>>
      %dma_wait3A_1386 = tpu.memref_slice %arg8[%cond3A_1038] : memref<3x!tpu.dma_semaphore, #tpu.memory_space<semaphore_mem>> -> memref<1x!tpu.dma_semaphore, #tpu.memory_space<semaphore_mem>>
      %dma_wait3A_1387 = tpu.memref_squeeze %dma_wait3A_1386 : memref<1x!tpu.dma_semaphore, #tpu.memory_space<semaphore_mem>> -> memref<!tpu.dma_semaphore, #tpu.memory_space<semaphore_mem>>
      %dma_wait3A_1388 = arith.constant 0 : i32
      %dma_wait3A_1389 = arith.constant 0 : i32
      %dma_wait3A_1390 = tpu.memref_slice %arg5[%select_n3A_372, %cond3A_1037, %dma_wait3A_1388, %dma_wait3A_1389] : memref<32x2x256x256xf32, #tpu.memory_space<hbm>> -> memref<1x1x128x256xf32, #tpu.memory_space<hbm>>
      %dma_wait3A_1391 = tpu.memref_squeeze %dma_wait3A_1390 : memref<1x1x128x256xf32, #tpu.memory_space<hbm>> -> memref<128x256xf32, #tpu.memory_space<hbm>>
      %dma_wait3A_1392 = arith.constant 0 : i32
      %dma_wait3A_1393 = arith.constant 0 : i32
      %dma_wait3A_1394 = tpu.memref_slice %arg6[%cond3A_1036, %dma_wait3A_1392, %dma_wait3A_1393] : memref<3x128x256xf32, #tpu.memory_space<vmem>> -> memref<1x128x256xf32, #tpu.memory_space<vmem>>
      %dma_wait3A_1395 = tpu.memref_squeeze %dma_wait3A_1394 : memref<1x128x256xf32, #tpu.memory_space<vmem>> -> memref<128x256xf32, #tpu.memory_space<vmem>>
      tpu.wait_dma2 semaphore(%dma_wait3A_1387 : memref<!tpu.dma_semaphore, #tpu.memory_space<semaphore_mem>>) src(%dma_wait3A_1395 : memref<128x256xf32, #tpu.memory_space<vmem>>) dst(%dma_wait3A_1391 : memref<128x256xf32, #tpu.memory_space<hbm>>)
    } else {
    }
    %convert_element_type3A_1041 = arith.extui %ne3A_750 : i1 to i32
    %cond3A_1042 = arith.constant 0 : i32
    %cond3A_1043 = arith.constant 1 : i32
    %cond3A_1044 = arith.constant 0 : i32
    %cond3A_1045 = arith.constant 0 : i32
    %cond3A_1046 = arith.cmpi ne, %convert_element_type3A_1041, %cond3A_1045 : i32
    scf.if %cond3A_1046 {
      %dma_wait3A_1378 = arith.constant 0 : i32
      %dma_wait3A_1379 = arith.constant 0 : i32
      %dma_wait3A_1380 = tpu.memref_slice %arg6[%cond3A_1042, %dma_wait3A_1378, %dma_wait3A_1379] : memref<3x128x256xf32, #tpu.memory_space<vmem>> -> memref<1x128x256xf32, #tpu.memory_space<vmem>>
      %dma_wait3A_1381 = tpu.memref_squeeze %dma_wait3A_1380 : memref<1x128x256xf32, #tpu.memory_space<vmem>> -> memref<128x256xf32, #tpu.memory_space<vmem>>
      %dma_wait3A_1382 = arith.constant 0 : i32
      %dma_wait3A_1383 = arith.constant 0 : i32
      %dma_wait3A_1384 = tpu.memref_slice %arg5[%select_n3A_497, %cond3A_1043, %dma_wait3A_1382, %dma_wait3A_1383] : memref<32x2x256x256xf32, #tpu.memory_space<hbm>> -> memref<1x1x128x256xf32, #tpu.memory_space<hbm>>
      %dma_wait3A_1385 = tpu.memref_squeeze %dma_wait3A_1384 : memref<1x1x128x256xf32, #tpu.memory_space<hbm>> -> memref<128x256xf32, #tpu.memory_space<hbm>>
      %dma_wait3A_1386 = tpu.memref_slice %arg8[%cond3A_1044] : memref<3x!tpu.dma_semaphore, #tpu.memory_space<semaphore_mem>> -> memref<1x!tpu.dma_semaphore, #tpu.memory_space<semaphore_mem>>
      %dma_wait3A_1387 = tpu.memref_squeeze %dma_wait3A_1386 : memref<1x!tpu.dma_semaphore, #tpu.memory_space<semaphore_mem>> -> memref<!tpu.dma_semaphore, #tpu.memory_space<semaphore_mem>>
      %dma_wait3A_1388 = arith.constant 0 : i32
      %dma_wait3A_1389 = arith.constant 0 : i32
      %dma_wait3A_1390 = tpu.memref_slice %arg5[%select_n3A_497, %cond3A_1043, %dma_wait3A_1388, %dma_wait3A_1389] : memref<32x2x256x256xf32, #tpu.memory_space<hbm>> -> memref<1x1x128x256xf32, #tpu.memory_space<hbm>>
      %dma_wait3A_1391 = tpu.memref_squeeze %dma_wait3A_1390 : memref<1x1x128x256xf32, #tpu.memory_space<hbm>> -> memref<128x256xf32, #tpu.memory_space<hbm>>
      %dma_wait3A_1392 = arith.constant 0 : i32
      %dma_wait3A_1393 = arith.constant 0 : i32
      %dma_wait3A_1394 = tpu.memref_slice %arg6[%cond3A_1042, %dma_wait3A_1392, %dma_wait3A_1393] : memref<3x128x256xf32, #tpu.memory_space<vmem>> -> memref<1x128x256xf32, #tpu.memory_space<vmem>>
      %dma_wait3A_1395 = tpu.memref_squeeze %dma_wait3A_1394 : memref<1x128x256xf32, #tpu.memory_space<vmem>> -> memref<128x256xf32, #tpu.memory_space<vmem>>
      tpu.wait_dma2 semaphore(%dma_wait3A_1387 : memref<!tpu.dma_semaphore, #tpu.memory_space<semaphore_mem>>) src(%dma_wait3A_1395 : memref<128x256xf32, #tpu.memory_space<vmem>>) dst(%dma_wait3A_1391 : memref<128x256xf32, #tpu.memory_space<hbm>>)
    } else {
    }
    %dma_start3A_1047 = arith.constant 0 : i32
    %dma_start3A_1048 = arith.constant 0 : i32
    %dma_start3A_1049 = arith.constant 0 : i32
    %dma_start3A_1050 = arith.constant 0 : i32
    %dma_start3A_1051 = tpu.memref_slice %arg6[%dma_start3A_1047, %dma_start3A_1049, %dma_start3A_1050] : memref<3x128x256xf32, #tpu.memory_space<vmem>> -> memref<1x128x256xf32, #tpu.memory_space<vmem>>
    %dma_start3A_1052 = tpu.memref_squeeze %dma_start3A_1051 : memref<1x128x256xf32, #tpu.memory_space<vmem>> -> memref<128x256xf32, #tpu.memory_space<vmem>>
    %dma_start3A_1053 = arith.constant 128 : i32
    %dma_start3A_1054 = arith.constant 0 : i32
    %dma_start3A_1055 = tpu.memref_slice %arg2[%add3A, %dma_start3A_1053, %dma_start3A_1054] : memref<32x256x256xf32, #tpu.memory_space<hbm>> -> memref<1x128x256xf32, #tpu.memory_space<hbm>>
    %dma_start3A_1056 = tpu.memref_squeeze %dma_start3A_1055 : memref<1x128x256xf32, #tpu.memory_space<hbm>> -> memref<128x256xf32, #tpu.memory_space<hbm>>
    %dma_start3A_1057 = tpu.memref_slice %arg7[%dma_start3A_1048] : memref<3x!tpu.dma_semaphore, #tpu.memory_space<semaphore_mem>> -> memref<1x!tpu.dma_semaphore, #tpu.memory_space<semaphore_mem>>
    %dma_start3A_1058 = tpu.memref_squeeze %dma_start3A_1057 : memref<1x!tpu.dma_semaphore, #tpu.memory_space<semaphore_mem>> -> memref<!tpu.dma_semaphore, #tpu.memory_space<semaphore_mem>>
    %dma_start3A_1059 = arith.constant 0 : i32
    %dma_start3A_1060 = arith.constant 0 : i32
    %dma_start3A_1061 = tpu.memref_slice %arg6[%dma_start3A_1047, %dma_start3A_1059, %dma_start3A_1060] : memref<3x128x256xf32, #tpu.memory_space<vmem>> -> memref<1x128x256xf32, #tpu.memory_space<vmem>>
    %dma_start3A_1062 = tpu.memref_squeeze %dma_start3A_1061 : memref<1x128x256xf32, #tpu.memory_space<vmem>> -> memref<128x256xf32, #tpu.memory_space<vmem>>
    %dma_start3A_1063 = arith.constant 128 : i32
    %dma_start3A_1064 = arith.constant 0 : i32
    %dma_start3A_1065 = tpu.memref_slice %arg2[%add3A, %dma_start3A_1063, %dma_start3A_1064] : memref<32x256x256xf32, #tpu.memory_space<hbm>> -> memref<1x128x256xf32, #tpu.memory_space<hbm>>
    %dma_start3A_1066 = tpu.memref_squeeze %dma_start3A_1065 : memref<1x128x256xf32, #tpu.memory_space<hbm>> -> memref<128x256xf32, #tpu.memory_space<hbm>>
    tpu.enqueue_dma source(%dma_start3A_1066 : memref<128x256xf32, #tpu.memory_space<hbm>>) target(%dma_start3A_1062 : memref<128x256xf32, #tpu.memory_space<vmem>>) target_semaphore(%dma_start3A_1058 : memref<!tpu.dma_semaphore, #tpu.memory_space<semaphore_mem>>)
    %dma_wait3A_1067 = arith.constant 1 : i32
    %dma_wait3A_1068 = arith.constant 1 : i32
    %dma_wait3A_1069 = arith.constant 0 : i32
    %dma_wait3A_1070 = arith.constant 0 : i32
    %dma_wait3A_1071 = tpu.memref_slice %arg6[%dma_wait3A_1067, %dma_wait3A_1069, %dma_wait3A_1070] : memref<3x128x256xf32, #tpu.memory_space<vmem>> -> memref<1x128x256xf32, #tpu.memory_space<vmem>>
    %dma_wait3A_1072 = tpu.memref_squeeze %dma_wait3A_1071 : memref<1x128x256xf32, #tpu.memory_space<vmem>> -> memref<128x256xf32, #tpu.memory_space<vmem>>
    %dma_wait3A_1073 = arith.constant 0 : i32
    %dma_wait3A_1074 = arith.constant 0 : i32
    %dma_wait3A_1075 = tpu.memref_slice %arg3[%select_n3A_122, %dma_wait3A_1073, %dma_wait3A_1074] : memref<1000x256x256xf32, #tpu.memory_space<hbm>> -> memref<1x128x256xf32, #tpu.memory_space<hbm>>
    %dma_wait3A_1076 = tpu.memref_squeeze %dma_wait3A_1075 : memref<1x128x256xf32, #tpu.memory_space<hbm>> -> memref<128x256xf32, #tpu.memory_space<hbm>>
    %dma_wait3A_1077 = tpu.memref_slice %arg7[%dma_wait3A_1068] : memref<3x!tpu.dma_semaphore, #tpu.memory_space<semaphore_mem>> -> memref<1x!tpu.dma_semaphore, #tpu.memory_space<semaphore_mem>>
    %dma_wait3A_1078 = tpu.memref_squeeze %dma_wait3A_1077 : memref<1x!tpu.dma_semaphore, #tpu.memory_space<semaphore_mem>> -> memref<!tpu.dma_semaphore, #tpu.memory_space<semaphore_mem>>
    %dma_wait3A_1079 = arith.constant 0 : i32
    %dma_wait3A_1080 = arith.constant 0 : i32
    %dma_wait3A_1081 = tpu.memref_slice %arg6[%dma_wait3A_1067, %dma_wait3A_1079, %dma_wait3A_1080] : memref<3x128x256xf32, #tpu.memory_space<vmem>> -> memref<1x128x256xf32, #tpu.memory_space<vmem>>
    %dma_wait3A_1082 = tpu.memref_squeeze %dma_wait3A_1081 : memref<1x128x256xf32, #tpu.memory_space<vmem>> -> memref<128x256xf32, #tpu.memory_space<vmem>>
    %dma_wait3A_1083 = arith.constant 0 : i32
    %dma_wait3A_1084 = arith.constant 0 : i32
    %dma_wait3A_1085 = tpu.memref_slice %arg3[%select_n3A_122, %dma_wait3A_1083, %dma_wait3A_1084] : memref<1000x256x256xf32, #tpu.memory_space<hbm>> -> memref<1x128x256xf32, #tpu.memory_space<hbm>>
    %dma_wait3A_1086 = tpu.memref_squeeze %dma_wait3A_1085 : memref<1x128x256xf32, #tpu.memory_space<hbm>> -> memref<128x256xf32, #tpu.memory_space<hbm>>
    tpu.wait_dma2 semaphore(%dma_wait3A_1078 : memref<!tpu.dma_semaphore, #tpu.memory_space<semaphore_mem>>) src(%dma_wait3A_1086 : memref<128x256xf32, #tpu.memory_space<hbm>>) dst(%dma_wait3A_1082 : memref<128x256xf32, #tpu.memory_space<vmem>>)
    %dma_start3A_1087 = arith.constant 1 : i32
    %dma_start3A_1088 = arith.constant 1 : i32
    %dma_start3A_1089 = arith.constant 1 : i32
    %dma_start3A_1090 = arith.constant 0 : i32
    %dma_start3A_1091 = arith.constant 0 : i32
    %dma_start3A_1092 = tpu.memref_slice %arg6[%dma_start3A_1087, %dma_start3A_1090, %dma_start3A_1091] : memref<3x128x256xf32, #tpu.memory_space<vmem>> -> memref<1x128x256xf32, #tpu.memory_space<vmem>>
    %dma_start3A_1093 = tpu.memref_squeeze %dma_start3A_1092 : memref<1x128x256xf32, #tpu.memory_space<vmem>> -> memref<128x256xf32, #tpu.memory_space<vmem>>
    %dma_start3A_1094 = arith.constant 0 : i32
    %dma_start3A_1095 = arith.constant 0 : i32
    %dma_start3A_1096 = tpu.memref_slice %arg4[%add3A, %dma_start3A_1088, %dma_start3A_1094, %dma_start3A_1095] : memref<32x2x256x256xf32, #tpu.memory_space<hbm>> -> memref<1x1x128x256xf32, #tpu.memory_space<hbm>>
    %dma_start3A_1097 = tpu.memref_squeeze %dma_start3A_1096 : memref<1x1x128x256xf32, #tpu.memory_space<hbm>> -> memref<128x256xf32, #tpu.memory_space<hbm>>
    %dma_start3A_1098 = tpu.memref_slice %arg8[%dma_start3A_1089] : memref<3x!tpu.dma_semaphore, #tpu.memory_space<semaphore_mem>> -> memref<1x!tpu.dma_semaphore, #tpu.memory_space<semaphore_mem>>
    %dma_start3A_1099 = tpu.memref_squeeze %dma_start3A_1098 : memref<1x!tpu.dma_semaphore, #tpu.memory_space<semaphore_mem>> -> memref<!tpu.dma_semaphore, #tpu.memory_space<semaphore_mem>>
    %dma_start3A_1100 = arith.constant 0 : i32
    %dma_start3A_1101 = arith.constant 0 : i32
    %dma_start3A_1102 = tpu.memref_slice %arg4[%add3A, %dma_start3A_1088, %dma_start3A_1100, %dma_start3A_1101] : memref<32x2x256x256xf32, #tpu.memory_space<hbm>> -> memref<1x1x128x256xf32, #tpu.memory_space<hbm>>
    %dma_start3A_1103 = tpu.memref_squeeze %dma_start3A_1102 : memref<1x1x128x256xf32, #tpu.memory_space<hbm>> -> memref<128x256xf32, #tpu.memory_space<hbm>>
    %dma_start3A_1104 = arith.constant 0 : i32
    %dma_start3A_1105 = arith.constant 0 : i32
    %dma_start3A_1106 = tpu.memref_slice %arg6[%dma_start3A_1087, %dma_start3A_1104, %dma_start3A_1105] : memref<3x128x256xf32, #tpu.memory_space<vmem>> -> memref<1x128x256xf32, #tpu.memory_space<vmem>>
    %dma_start3A_1107 = tpu.memref_squeeze %dma_start3A_1106 : memref<1x128x256xf32, #tpu.memory_space<vmem>> -> memref<128x256xf32, #tpu.memory_space<vmem>>
    tpu.enqueue_dma source(%dma_start3A_1107 : memref<128x256xf32, #tpu.memory_space<vmem>>) target(%dma_start3A_1103 : memref<128x256xf32, #tpu.memory_space<hbm>>) target_semaphore(%dma_start3A_1099 : memref<!tpu.dma_semaphore, #tpu.memory_space<semaphore_mem>>)
    %dma_wait3A_1108 = arith.constant 1 : i32
    %dma_wait3A_1109 = arith.constant 1 : i32
    %dma_wait3A_1110 = arith.constant 1 : i32
    %dma_wait3A_1111 = arith.constant 0 : i32
    %dma_wait3A_1112 = arith.constant 0 : i32
    %dma_wait3A_1113 = tpu.memref_slice %arg6[%dma_wait3A_1108, %dma_wait3A_1111, %dma_wait3A_1112] : memref<3x128x256xf32, #tpu.memory_space<vmem>> -> memref<1x128x256xf32, #tpu.memory_space<vmem>>
    %dma_wait3A_1114 = tpu.memref_squeeze %dma_wait3A_1113 : memref<1x128x256xf32, #tpu.memory_space<vmem>> -> memref<128x256xf32, #tpu.memory_space<vmem>>
    %dma_wait3A_1115 = arith.constant 0 : i32
    %dma_wait3A_1116 = arith.constant 0 : i32
    %dma_wait3A_1117 = tpu.memref_slice %arg4[%add3A, %dma_wait3A_1109, %dma_wait3A_1115, %dma_wait3A_1116] : memref<32x2x256x256xf32, #tpu.memory_space<hbm>> -> memref<1x1x128x256xf32, #tpu.memory_space<hbm>>
    %dma_wait3A_1118 = tpu.memref_squeeze %dma_wait3A_1117 : memref<1x1x128x256xf32, #tpu.memory_space<hbm>> -> memref<128x256xf32, #tpu.memory_space<hbm>>
    %dma_wait3A_1119 = tpu.memref_slice %arg8[%dma_wait3A_1110] : memref<3x!tpu.dma_semaphore, #tpu.memory_space<semaphore_mem>> -> memref<1x!tpu.dma_semaphore, #tpu.memory_space<semaphore_mem>>
    %dma_wait3A_1120 = tpu.memref_squeeze %dma_wait3A_1119 : memref<1x!tpu.dma_semaphore, #tpu.memory_space<semaphore_mem>> -> memref<!tpu.dma_semaphore, #tpu.memory_space<semaphore_mem>>
    %dma_wait3A_1121 = arith.constant 0 : i32
    %dma_wait3A_1122 = arith.constant 0 : i32
    %dma_wait3A_1123 = tpu.memref_slice %arg4[%add3A, %dma_wait3A_1109, %dma_wait3A_1121, %dma_wait3A_1122] : memref<32x2x256x256xf32, #tpu.memory_space<hbm>> -> memref<1x1x128x256xf32, #tpu.memory_space<hbm>>
    %dma_wait3A_1124 = tpu.memref_squeeze %dma_wait3A_1123 : memref<1x1x128x256xf32, #tpu.memory_space<hbm>> -> memref<128x256xf32, #tpu.memory_space<hbm>>
    %dma_wait3A_1125 = arith.constant 0 : i32
    %dma_wait3A_1126 = arith.constant 0 : i32
    %dma_wait3A_1127 = tpu.memref_slice %arg6[%dma_wait3A_1108, %dma_wait3A_1125, %dma_wait3A_1126] : memref<3x128x256xf32, #tpu.memory_space<vmem>> -> memref<1x128x256xf32, #tpu.memory_space<vmem>>
    %dma_wait3A_1128 = tpu.memref_squeeze %dma_wait3A_1127 : memref<1x128x256xf32, #tpu.memory_space<vmem>> -> memref<128x256xf32, #tpu.memory_space<vmem>>
    tpu.wait_dma2 semaphore(%dma_wait3A_1120 : memref<!tpu.dma_semaphore, #tpu.memory_space<semaphore_mem>>) src(%dma_wait3A_1128 : memref<128x256xf32, #tpu.memory_space<vmem>>) dst(%dma_wait3A_1124 : memref<128x256xf32, #tpu.memory_space<hbm>>)
    %dma_start3A_1129 = arith.constant 1 : i32
    %dma_start3A_1130 = arith.constant 1 : i32
    %dma_start3A_1131 = arith.constant 0 : i32
    %dma_start3A_1132 = arith.constant 0 : i32
    %dma_start3A_1133 = tpu.memref_slice %arg6[%dma_start3A_1129, %dma_start3A_1131, %dma_start3A_1132] : memref<3x128x256xf32, #tpu.memory_space<vmem>> -> memref<1x128x256xf32, #tpu.memory_space<vmem>>
    %dma_start3A_1134 = tpu.memref_squeeze %dma_start3A_1133 : memref<1x128x256xf32, #tpu.memory_space<vmem>> -> memref<128x256xf32, #tpu.memory_space<vmem>>
    %dma_start3A_1135 = arith.constant 128 : i32
    %dma_start3A_1136 = arith.constant 0 : i32
    %dma_start3A_1137 = tpu.memref_slice %arg3[%select_n3A_122, %dma_start3A_1135, %dma_start3A_1136] : memref<1000x256x256xf32, #tpu.memory_space<hbm>> -> memref<1x128x256xf32, #tpu.memory_space<hbm>>
    %dma_start3A_1138 = tpu.memref_squeeze %dma_start3A_1137 : memref<1x128x256xf32, #tpu.memory_space<hbm>> -> memref<128x256xf32, #tpu.memory_space<hbm>>
    %dma_start3A_1139 = tpu.memref_slice %arg7[%dma_start3A_1130] : memref<3x!tpu.dma_semaphore, #tpu.memory_space<semaphore_mem>> -> memref<1x!tpu.dma_semaphore, #tpu.memory_space<semaphore_mem>>
    %dma_start3A_1140 = tpu.memref_squeeze %dma_start3A_1139 : memref<1x!tpu.dma_semaphore, #tpu.memory_space<semaphore_mem>> -> memref<!tpu.dma_semaphore, #tpu.memory_space<semaphore_mem>>
    %dma_start3A_1141 = arith.constant 0 : i32
    %dma_start3A_1142 = arith.constant 0 : i32
    %dma_start3A_1143 = tpu.memref_slice %arg6[%dma_start3A_1129, %dma_start3A_1141, %dma_start3A_1142] : memref<3x128x256xf32, #tpu.memory_space<vmem>> -> memref<1x128x256xf32, #tpu.memory_space<vmem>>
    %dma_start3A_1144 = tpu.memref_squeeze %dma_start3A_1143 : memref<1x128x256xf32, #tpu.memory_space<vmem>> -> memref<128x256xf32, #tpu.memory_space<vmem>>
    %dma_start3A_1145 = arith.constant 128 : i32
    %dma_start3A_1146 = arith.constant 0 : i32
    %dma_start3A_1147 = tpu.memref_slice %arg3[%select_n3A_122, %dma_start3A_1145, %dma_start3A_1146] : memref<1000x256x256xf32, #tpu.memory_space<hbm>> -> memref<1x128x256xf32, #tpu.memory_space<hbm>>
    %dma_start3A_1148 = tpu.memref_squeeze %dma_start3A_1147 : memref<1x128x256xf32, #tpu.memory_space<hbm>> -> memref<128x256xf32, #tpu.memory_space<hbm>>
    tpu.enqueue_dma source(%dma_start3A_1148 : memref<128x256xf32, #tpu.memory_space<hbm>>) target(%dma_start3A_1144 : memref<128x256xf32, #tpu.memory_space<vmem>>) target_semaphore(%dma_start3A_1140 : memref<!tpu.dma_semaphore, #tpu.memory_space<semaphore_mem>>)
    %convert_element_type3A_1149 = arith.extui %ne3A_877 : i1 to i32
    %cond3A_1150 = arith.constant 2 : i32
    %cond3A_1151 = arith.constant 2 : i32
    %cond3A_1152 = arith.constant 0 : i32
    %cond3A_1153 = arith.cmpi ne, %convert_element_type3A_1149, %cond3A_1152 : i32
    scf.if %cond3A_1153 {
      %dma_wait3A_1378 = arith.constant 0 : i32
      %dma_wait3A_1379 = arith.constant 0 : i32
      %dma_wait3A_1380 = tpu.memref_slice %arg6[%cond3A_1150, %dma_wait3A_1378, %dma_wait3A_1379] : memref<3x128x256xf32, #tpu.memory_space<vmem>> -> memref<1x128x256xf32, #tpu.memory_space<vmem>>
      %dma_wait3A_1381 = tpu.memref_squeeze %dma_wait3A_1380 : memref<1x128x256xf32, #tpu.memory_space<vmem>> -> memref<128x256xf32, #tpu.memory_space<vmem>>
      %dma_wait3A_1382 = arith.constant 0 : i32
      %dma_wait3A_1383 = arith.constant 0 : i32
      %dma_wait3A_1384 = tpu.memref_slice %arg2[%select_n3A_247, %dma_wait3A_1382, %dma_wait3A_1383] : memref<32x256x256xf32, #tpu.memory_space<hbm>> -> memref<1x128x256xf32, #tpu.memory_space<hbm>>
      %dma_wait3A_1385 = tpu.memref_squeeze %dma_wait3A_1384 : memref<1x128x256xf32, #tpu.memory_space<hbm>> -> memref<128x256xf32, #tpu.memory_space<hbm>>
      %dma_wait3A_1386 = tpu.memref_slice %arg7[%cond3A_1151] : memref<3x!tpu.dma_semaphore, #tpu.memory_space<semaphore_mem>> -> memref<1x!tpu.dma_semaphore, #tpu.memory_space<semaphore_mem>>
      %dma_wait3A_1387 = tpu.memref_squeeze %dma_wait3A_1386 : memref<1x!tpu.dma_semaphore, #tpu.memory_space<semaphore_mem>> -> memref<!tpu.dma_semaphore, #tpu.memory_space<semaphore_mem>>
      %dma_wait3A_1388 = arith.constant 0 : i32
      %dma_wait3A_1389 = arith.constant 0 : i32
      %dma_wait3A_1390 = tpu.memref_slice %arg6[%cond3A_1150, %dma_wait3A_1388, %dma_wait3A_1389] : memref<3x128x256xf32, #tpu.memory_space<vmem>> -> memref<1x128x256xf32, #tpu.memory_space<vmem>>
      %dma_wait3A_1391 = tpu.memref_squeeze %dma_wait3A_1390 : memref<1x128x256xf32, #tpu.memory_space<vmem>> -> memref<128x256xf32, #tpu.memory_space<vmem>>
      %dma_wait3A_1392 = arith.constant 0 : i32
      %dma_wait3A_1393 = arith.constant 0 : i32
      %dma_wait3A_1394 = tpu.memref_slice %arg2[%select_n3A_247, %dma_wait3A_1392, %dma_wait3A_1393] : memref<32x256x256xf32, #tpu.memory_space<hbm>> -> memref<1x128x256xf32, #tpu.memory_space<hbm>>
      %dma_wait3A_1395 = tpu.memref_squeeze %dma_wait3A_1394 : memref<1x128x256xf32, #tpu.memory_space<hbm>> -> memref<128x256xf32, #tpu.memory_space<hbm>>
      tpu.wait_dma2 semaphore(%dma_wait3A_1387 : memref<!tpu.dma_semaphore, #tpu.memory_space<semaphore_mem>>) src(%dma_wait3A_1395 : memref<128x256xf32, #tpu.memory_space<hbm>>) dst(%dma_wait3A_1391 : memref<128x256xf32, #tpu.memory_space<vmem>>)
    } else {
    }
    %convert_element_type3A_1154 = arith.extui %ne3A_877 : i1 to i32
    %cond3A_1155 = arith.constant 2 : i32
    %cond3A_1156 = arith.constant 1 : i32
    %cond3A_1157 = arith.constant 2 : i32
    %cond3A_1158 = arith.constant 0 : i32
    %cond3A_1159 = arith.cmpi ne, %convert_element_type3A_1154, %cond3A_1158 : i32
    scf.if %cond3A_1159 {
      %dma_start3A_1378 = arith.constant 0 : i32
      %dma_start3A_1379 = arith.constant 0 : i32
      %dma_start3A_1380 = tpu.memref_slice %arg6[%cond3A_1155, %dma_start3A_1378, %dma_start3A_1379] : memref<3x128x256xf32, #tpu.memory_space<vmem>> -> memref<1x128x256xf32, #tpu.memory_space<vmem>>
      %dma_start3A_1381 = tpu.memref_squeeze %dma_start3A_1380 : memref<1x128x256xf32, #tpu.memory_space<vmem>> -> memref<128x256xf32, #tpu.memory_space<vmem>>
      %dma_start3A_1382 = arith.constant 0 : i32
      %dma_start3A_1383 = arith.constant 0 : i32
      %dma_start3A_1384 = tpu.memref_slice %arg5[%add3A, %cond3A_1156, %dma_start3A_1382, %dma_start3A_1383] : memref<32x2x256x256xf32, #tpu.memory_space<hbm>> -> memref<1x1x128x256xf32, #tpu.memory_space<hbm>>
      %dma_start3A_1385 = tpu.memref_squeeze %dma_start3A_1384 : memref<1x1x128x256xf32, #tpu.memory_space<hbm>> -> memref<128x256xf32, #tpu.memory_space<hbm>>
      %dma_start3A_1386 = tpu.memref_slice %arg8[%cond3A_1157] : memref<3x!tpu.dma_semaphore, #tpu.memory_space<semaphore_mem>> -> memref<1x!tpu.dma_semaphore, #tpu.memory_space<semaphore_mem>>
      %dma_start3A_1387 = tpu.memref_squeeze %dma_start3A_1386 : memref<1x!tpu.dma_semaphore, #tpu.memory_space<semaphore_mem>> -> memref<!tpu.dma_semaphore, #tpu.memory_space<semaphore_mem>>
      %dma_start3A_1388 = arith.constant 0 : i32
      %dma_start3A_1389 = arith.constant 0 : i32
      %dma_start3A_1390 = tpu.memref_slice %arg5[%add3A, %cond3A_1156, %dma_start3A_1388, %dma_start3A_1389] : memref<32x2x256x256xf32, #tpu.memory_space<hbm>> -> memref<1x1x128x256xf32, #tpu.memory_space<hbm>>
      %dma_start3A_1391 = tpu.memref_squeeze %dma_start3A_1390 : memref<1x1x128x256xf32, #tpu.memory_space<hbm>> -> memref<128x256xf32, #tpu.memory_space<hbm>>
      %dma_start3A_1392 = arith.constant 0 : i32
      %dma_start3A_1393 = arith.constant 0 : i32
      %dma_start3A_1394 = tpu.memref_slice %arg6[%cond3A_1155, %dma_start3A_1392, %dma_start3A_1393] : memref<3x128x256xf32, #tpu.memory_space<vmem>> -> memref<1x128x256xf32, #tpu.memory_space<vmem>>
      %dma_start3A_1395 = tpu.memref_squeeze %dma_start3A_1394 : memref<1x128x256xf32, #tpu.memory_space<vmem>> -> memref<128x256xf32, #tpu.memory_space<vmem>>
      tpu.enqueue_dma source(%dma_start3A_1395 : memref<128x256xf32, #tpu.memory_space<vmem>>) target(%dma_start3A_1391 : memref<128x256xf32, #tpu.memory_space<hbm>>) target_semaphore(%dma_start3A_1387 : memref<!tpu.dma_semaphore, #tpu.memory_space<semaphore_mem>>)
    } else {
    }
    %convert_element_type3A_1160 = arith.extui %ne3A_877 : i1 to i32
    %cond3A_1161 = arith.constant 2 : i32
    %cond3A_1162 = arith.constant 1 : i32
    %cond3A_1163 = arith.constant 2 : i32
    %cond3A_1164 = arith.constant 0 : i32
    %cond3A_1165 = arith.cmpi ne, %convert_element_type3A_1160, %cond3A_1164 : i32
    scf.if %cond3A_1165 {
      %dma_wait3A_1378 = arith.constant 0 : i32
      %dma_wait3A_1379 = arith.constant 0 : i32
      %dma_wait3A_1380 = tpu.memref_slice %arg6[%cond3A_1161, %dma_wait3A_1378, %dma_wait3A_1379] : memref<3x128x256xf32, #tpu.memory_space<vmem>> -> memref<1x128x256xf32, #tpu.memory_space<vmem>>
      %dma_wait3A_1381 = tpu.memref_squeeze %dma_wait3A_1380 : memref<1x128x256xf32, #tpu.memory_space<vmem>> -> memref<128x256xf32, #tpu.memory_space<vmem>>
      %dma_wait3A_1382 = arith.constant 0 : i32
      %dma_wait3A_1383 = arith.constant 0 : i32
      %dma_wait3A_1384 = tpu.memref_slice %arg5[%add3A, %cond3A_1162, %dma_wait3A_1382, %dma_wait3A_1383] : memref<32x2x256x256xf32, #tpu.memory_space<hbm>> -> memref<1x1x128x256xf32, #tpu.memory_space<hbm>>
      %dma_wait3A_1385 = tpu.memref_squeeze %dma_wait3A_1384 : memref<1x1x128x256xf32, #tpu.memory_space<hbm>> -> memref<128x256xf32, #tpu.memory_space<hbm>>
      %dma_wait3A_1386 = tpu.memref_slice %arg8[%cond3A_1163] : memref<3x!tpu.dma_semaphore, #tpu.memory_space<semaphore_mem>> -> memref<1x!tpu.dma_semaphore, #tpu.memory_space<semaphore_mem>>
      %dma_wait3A_1387 = tpu.memref_squeeze %dma_wait3A_1386 : memref<1x!tpu.dma_semaphore, #tpu.memory_space<semaphore_mem>> -> memref<!tpu.dma_semaphore, #tpu.memory_space<semaphore_mem>>
      %dma_wait3A_1388 = arith.constant 0 : i32
      %dma_wait3A_1389 = arith.constant 0 : i32
      %dma_wait3A_1390 = tpu.memref_slice %arg5[%add3A, %cond3A_1162, %dma_wait3A_1388, %dma_wait3A_1389] : memref<32x2x256x256xf32, #tpu.memory_space<hbm>> -> memref<1x1x128x256xf32, #tpu.memory_space<hbm>>
      %dma_wait3A_1391 = tpu.memref_squeeze %dma_wait3A_1390 : memref<1x1x128x256xf32, #tpu.memory_space<hbm>> -> memref<128x256xf32, #tpu.memory_space<hbm>>
      %dma_wait3A_1392 = arith.constant 0 : i32
      %dma_wait3A_1393 = arith.constant 0 : i32
      %dma_wait3A_1394 = tpu.memref_slice %arg6[%cond3A_1161, %dma_wait3A_1392, %dma_wait3A_1393] : memref<3x128x256xf32, #tpu.memory_space<vmem>> -> memref<1x128x256xf32, #tpu.memory_space<vmem>>
      %dma_wait3A_1395 = tpu.memref_squeeze %dma_wait3A_1394 : memref<1x128x256xf32, #tpu.memory_space<vmem>> -> memref<128x256xf32, #tpu.memory_space<vmem>>
      tpu.wait_dma2 semaphore(%dma_wait3A_1387 : memref<!tpu.dma_semaphore, #tpu.memory_space<semaphore_mem>>) src(%dma_wait3A_1395 : memref<128x256xf32, #tpu.memory_space<vmem>>) dst(%dma_wait3A_1391 : memref<128x256xf32, #tpu.memory_space<hbm>>)
    } else {
    }
    %convert_element_type3A_1166 = arith.extui %ne3A_877 : i1 to i32
    %cond3A_1167 = arith.constant 2 : i32
    %cond3A_1168 = arith.constant 2 : i32
    %cond3A_1169 = arith.constant 0 : i32
    %cond3A_1170 = arith.cmpi ne, %convert_element_type3A_1166, %cond3A_1169 : i32
    scf.if %cond3A_1170 {
      %dma_start3A_1378 = arith.constant 0 : i32
      %dma_start3A_1379 = arith.constant 0 : i32
      %dma_start3A_1380 = tpu.memref_slice %arg6[%cond3A_1167, %dma_start3A_1378, %dma_start3A_1379] : memref<3x128x256xf32, #tpu.memory_space<vmem>> -> memref<1x128x256xf32, #tpu.memory_space<vmem>>
      %dma_start3A_1381 = tpu.memref_squeeze %dma_start3A_1380 : memref<1x128x256xf32, #tpu.memory_space<vmem>> -> memref<128x256xf32, #tpu.memory_space<vmem>>
      %dma_start3A_1382 = arith.constant 128 : i32
      %dma_start3A_1383 = arith.constant 0 : i32
      %dma_start3A_1384 = tpu.memref_slice %arg2[%select_n3A_247, %dma_start3A_1382, %dma_start3A_1383] : memref<32x256x256xf32, #tpu.memory_space<hbm>> -> memref<1x128x256xf32, #tpu.memory_space<hbm>>
      %dma_start3A_1385 = tpu.memref_squeeze %dma_start3A_1384 : memref<1x128x256xf32, #tpu.memory_space<hbm>> -> memref<128x256xf32, #tpu.memory_space<hbm>>
      %dma_start3A_1386 = tpu.memref_slice %arg7[%cond3A_1168] : memref<3x!tpu.dma_semaphore, #tpu.memory_space<semaphore_mem>> -> memref<1x!tpu.dma_semaphore, #tpu.memory_space<semaphore_mem>>
      %dma_start3A_1387 = tpu.memref_squeeze %dma_start3A_1386 : memref<1x!tpu.dma_semaphore, #tpu.memory_space<semaphore_mem>> -> memref<!tpu.dma_semaphore, #tpu.memory_space<semaphore_mem>>
      %dma_start3A_1388 = arith.constant 0 : i32
      %dma_start3A_1389 = arith.constant 0 : i32
      %dma_start3A_1390 = tpu.memref_slice %arg6[%cond3A_1167, %dma_start3A_1388, %dma_start3A_1389] : memref<3x128x256xf32, #tpu.memory_space<vmem>> -> memref<1x128x256xf32, #tpu.memory_space<vmem>>
      %dma_start3A_1391 = tpu.memref_squeeze %dma_start3A_1390 : memref<1x128x256xf32, #tpu.memory_space<vmem>> -> memref<128x256xf32, #tpu.memory_space<vmem>>
      %dma_start3A_1392 = arith.constant 128 : i32
      %dma_start3A_1393 = arith.constant 0 : i32
      %dma_start3A_1394 = tpu.memref_slice %arg2[%select_n3A_247, %dma_start3A_1392, %dma_start3A_1393] : memref<32x256x256xf32, #tpu.memory_space<hbm>> -> memref<1x128x256xf32, #tpu.memory_space<hbm>>
      %dma_start3A_1395 = tpu.memref_squeeze %dma_start3A_1394 : memref<1x128x256xf32, #tpu.memory_space<hbm>> -> memref<128x256xf32, #tpu.memory_space<hbm>>
      tpu.enqueue_dma source(%dma_start3A_1395 : memref<128x256xf32, #tpu.memory_space<hbm>>) target(%dma_start3A_1391 : memref<128x256xf32, #tpu.memory_space<vmem>>) target_semaphore(%dma_start3A_1387 : memref<!tpu.dma_semaphore, #tpu.memory_space<semaphore_mem>>)
    } else {
    }
    %dma_wait3A_1171 = arith.constant 0 : i32
    %dma_wait3A_1172 = arith.constant 0 : i32
    %dma_wait3A_1173 = arith.constant 0 : i32
    %dma_wait3A_1174 = arith.constant 0 : i32
    %dma_wait3A_1175 = tpu.memref_slice %arg6[%dma_wait3A_1171, %dma_wait3A_1173, %dma_wait3A_1174] : memref<3x128x256xf32, #tpu.memory_space<vmem>> -> memref<1x128x256xf32, #tpu.memory_space<vmem>>
    %dma_wait3A_1176 = tpu.memref_squeeze %dma_wait3A_1175 : memref<1x128x256xf32, #tpu.memory_space<vmem>> -> memref<128x256xf32, #tpu.memory_space<vmem>>
    %dma_wait3A_1177 = arith.constant 128 : i32
    %dma_wait3A_1178 = arith.constant 0 : i32
    %dma_wait3A_1179 = tpu.memref_slice %arg2[%add3A, %dma_wait3A_1177, %dma_wait3A_1178] : memref<32x256x256xf32, #tpu.memory_space<hbm>> -> memref<1x128x256xf32, #tpu.memory_space<hbm>>
    %dma_wait3A_1180 = tpu.memref_squeeze %dma_wait3A_1179 : memref<1x128x256xf32, #tpu.memory_space<hbm>> -> memref<128x256xf32, #tpu.memory_space<hbm>>
    %dma_wait3A_1181 = tpu.memref_slice %arg7[%dma_wait3A_1172] : memref<3x!tpu.dma_semaphore, #tpu.memory_space<semaphore_mem>> -> memref<1x!tpu.dma_semaphore, #tpu.memory_space<semaphore_mem>>
    %dma_wait3A_1182 = tpu.memref_squeeze %dma_wait3A_1181 : memref<1x!tpu.dma_semaphore, #tpu.memory_space<semaphore_mem>> -> memref<!tpu.dma_semaphore, #tpu.memory_space<semaphore_mem>>
    %dma_wait3A_1183 = arith.constant 0 : i32
    %dma_wait3A_1184 = arith.constant 0 : i32
    %dma_wait3A_1185 = tpu.memref_slice %arg6[%dma_wait3A_1171, %dma_wait3A_1183, %dma_wait3A_1184] : memref<3x128x256xf32, #tpu.memory_space<vmem>> -> memref<1x128x256xf32, #tpu.memory_space<vmem>>
    %dma_wait3A_1186 = tpu.memref_squeeze %dma_wait3A_1185 : memref<1x128x256xf32, #tpu.memory_space<vmem>> -> memref<128x256xf32, #tpu.memory_space<vmem>>
    %dma_wait3A_1187 = arith.constant 128 : i32
    %dma_wait3A_1188 = arith.constant 0 : i32
    %dma_wait3A_1189 = tpu.memref_slice %arg2[%add3A, %dma_wait3A_1187, %dma_wait3A_1188] : memref<32x256x256xf32, #tpu.memory_space<hbm>> -> memref<1x128x256xf32, #tpu.memory_space<hbm>>
    %dma_wait3A_1190 = tpu.memref_squeeze %dma_wait3A_1189 : memref<1x128x256xf32, #tpu.memory_space<hbm>> -> memref<128x256xf32, #tpu.memory_space<hbm>>
    tpu.wait_dma2 semaphore(%dma_wait3A_1182 : memref<!tpu.dma_semaphore, #tpu.memory_space<semaphore_mem>>) src(%dma_wait3A_1190 : memref<128x256xf32, #tpu.memory_space<hbm>>) dst(%dma_wait3A_1186 : memref<128x256xf32, #tpu.memory_space<vmem>>)
    %dma_start3A_1191 = arith.constant 0 : i32
    %dma_start3A_1192 = arith.constant 0 : i32
    %dma_start3A_1193 = arith.constant 0 : i32
    %dma_start3A_1194 = arith.constant 0 : i32
    %dma_start3A_1195 = arith.constant 0 : i32
    %dma_start3A_1196 = tpu.memref_slice %arg6[%dma_start3A_1191, %dma_start3A_1194, %dma_start3A_1195] : memref<3x128x256xf32, #tpu.memory_space<vmem>> -> memref<1x128x256xf32, #tpu.memory_space<vmem>>
    %dma_start3A_1197 = tpu.memref_squeeze %dma_start3A_1196 : memref<1x128x256xf32, #tpu.memory_space<vmem>> -> memref<128x256xf32, #tpu.memory_space<vmem>>
    %dma_start3A_1198 = arith.constant 128 : i32
    %dma_start3A_1199 = arith.constant 0 : i32
    %dma_start3A_1200 = tpu.memref_slice %arg4[%add3A, %dma_start3A_1192, %dma_start3A_1198, %dma_start3A_1199] : memref<32x2x256x256xf32, #tpu.memory_space<hbm>> -> memref<1x1x128x256xf32, #tpu.memory_space<hbm>>
    %dma_start3A_1201 = tpu.memref_squeeze %dma_start3A_1200 : memref<1x1x128x256xf32, #tpu.memory_space<hbm>> -> memref<128x256xf32, #tpu.memory_space<hbm>>
    %dma_start3A_1202 = tpu.memref_slice %arg8[%dma_start3A_1193] : memref<3x!tpu.dma_semaphore, #tpu.memory_space<semaphore_mem>> -> memref<1x!tpu.dma_semaphore, #tpu.memory_space<semaphore_mem>>
    %dma_start3A_1203 = tpu.memref_squeeze %dma_start3A_1202 : memref<1x!tpu.dma_semaphore, #tpu.memory_space<semaphore_mem>> -> memref<!tpu.dma_semaphore, #tpu.memory_space<semaphore_mem>>
    %dma_start3A_1204 = arith.constant 128 : i32
    %dma_start3A_1205 = arith.constant 0 : i32
    %dma_start3A_1206 = tpu.memref_slice %arg4[%add3A, %dma_start3A_1192, %dma_start3A_1204, %dma_start3A_1205] : memref<32x2x256x256xf32, #tpu.memory_space<hbm>> -> memref<1x1x128x256xf32, #tpu.memory_space<hbm>>
    %dma_start3A_1207 = tpu.memref_squeeze %dma_start3A_1206 : memref<1x1x128x256xf32, #tpu.memory_space<hbm>> -> memref<128x256xf32, #tpu.memory_space<hbm>>
    %dma_start3A_1208 = arith.constant 0 : i32
    %dma_start3A_1209 = arith.constant 0 : i32
    %dma_start3A_1210 = tpu.memref_slice %arg6[%dma_start3A_1191, %dma_start3A_1208, %dma_start3A_1209] : memref<3x128x256xf32, #tpu.memory_space<vmem>> -> memref<1x128x256xf32, #tpu.memory_space<vmem>>
    %dma_start3A_1211 = tpu.memref_squeeze %dma_start3A_1210 : memref<1x128x256xf32, #tpu.memory_space<vmem>> -> memref<128x256xf32, #tpu.memory_space<vmem>>
    tpu.enqueue_dma source(%dma_start3A_1211 : memref<128x256xf32, #tpu.memory_space<vmem>>) target(%dma_start3A_1207 : memref<128x256xf32, #tpu.memory_space<hbm>>) target_semaphore(%dma_start3A_1203 : memref<!tpu.dma_semaphore, #tpu.memory_space<semaphore_mem>>)
    %dma_start3A_1212 = arith.constant 0 : i32
    %dma_start3A_1213 = arith.constant 0 : i32
    %dma_start3A_1214 = arith.constant 0 : i32
    %dma_start3A_1215 = arith.constant 0 : i32
    %dma_start3A_1216 = arith.constant 0 : i32
    %dma_start3A_1217 = tpu.memref_slice %arg6[%dma_start3A_1212, %dma_start3A_1215, %dma_start3A_1216] : memref<3x128x256xf32, #tpu.memory_space<vmem>> -> memref<1x128x256xf32, #tpu.memory_space<vmem>>
    %dma_start3A_1218 = tpu.memref_squeeze %dma_start3A_1217 : memref<1x128x256xf32, #tpu.memory_space<vmem>> -> memref<128x256xf32, #tpu.memory_space<vmem>>
    %dma_start3A_1219 = arith.constant 128 : i32
    %dma_start3A_1220 = arith.constant 0 : i32
    %dma_start3A_1221 = tpu.memref_slice %arg5[%add3A, %dma_start3A_1213, %dma_start3A_1219, %dma_start3A_1220] : memref<32x2x256x256xf32, #tpu.memory_space<hbm>> -> memref<1x1x128x256xf32, #tpu.memory_space<hbm>>
    %dma_start3A_1222 = tpu.memref_squeeze %dma_start3A_1221 : memref<1x1x128x256xf32, #tpu.memory_space<hbm>> -> memref<128x256xf32, #tpu.memory_space<hbm>>
    %dma_start3A_1223 = tpu.memref_slice %arg8[%dma_start3A_1214] : memref<3x!tpu.dma_semaphore, #tpu.memory_space<semaphore_mem>> -> memref<1x!tpu.dma_semaphore, #tpu.memory_space<semaphore_mem>>
    %dma_start3A_1224 = tpu.memref_squeeze %dma_start3A_1223 : memref<1x!tpu.dma_semaphore, #tpu.memory_space<semaphore_mem>> -> memref<!tpu.dma_semaphore, #tpu.memory_space<semaphore_mem>>
    %dma_start3A_1225 = arith.constant 128 : i32
    %dma_start3A_1226 = arith.constant 0 : i32
    %dma_start3A_1227 = tpu.memref_slice %arg5[%add3A, %dma_start3A_1213, %dma_start3A_1225, %dma_start3A_1226] : memref<32x2x256x256xf32, #tpu.memory_space<hbm>> -> memref<1x1x128x256xf32, #tpu.memory_space<hbm>>
    %dma_start3A_1228 = tpu.memref_squeeze %dma_start3A_1227 : memref<1x1x128x256xf32, #tpu.memory_space<hbm>> -> memref<128x256xf32, #tpu.memory_space<hbm>>
    %dma_start3A_1229 = arith.constant 0 : i32
    %dma_start3A_1230 = arith.constant 0 : i32
    %dma_start3A_1231 = tpu.memref_slice %arg6[%dma_start3A_1212, %dma_start3A_1229, %dma_start3A_1230] : memref<3x128x256xf32, #tpu.memory_space<vmem>> -> memref<1x128x256xf32, #tpu.memory_space<vmem>>
    %dma_start3A_1232 = tpu.memref_squeeze %dma_start3A_1231 : memref<1x128x256xf32, #tpu.memory_space<vmem>> -> memref<128x256xf32, #tpu.memory_space<vmem>>
    tpu.enqueue_dma source(%dma_start3A_1232 : memref<128x256xf32, #tpu.memory_space<vmem>>) target(%dma_start3A_1228 : memref<128x256xf32, #tpu.memory_space<hbm>>) target_semaphore(%dma_start3A_1224 : memref<!tpu.dma_semaphore, #tpu.memory_space<semaphore_mem>>)
    %convert_element_type3A_1233 = arith.extui %ne3A_623 : i1 to i32
    %cond3A_1234 = arith.constant 0 : i32
    %cond3A_1235 = arith.constant 1 : i32
    %cond3A_1236 = arith.constant 0 : i32
    %cond3A_1237 = arith.constant 0 : i32
    %cond3A_1238 = arith.cmpi ne, %convert_element_type3A_1233, %cond3A_1237 : i32
    scf.if %cond3A_1238 {
      %dma_start3A_1378 = arith.constant 0 : i32
      %dma_start3A_1379 = arith.constant 0 : i32
      %dma_start3A_1380 = tpu.memref_slice %arg6[%cond3A_1234, %dma_start3A_1378, %dma_start3A_1379] : memref<3x128x256xf32, #tpu.memory_space<vmem>> -> memref<1x128x256xf32, #tpu.memory_space<vmem>>
      %dma_start3A_1381 = tpu.memref_squeeze %dma_start3A_1380 : memref<1x128x256xf32, #tpu.memory_space<vmem>> -> memref<128x256xf32, #tpu.memory_space<vmem>>
      %dma_start3A_1382 = arith.constant 128 : i32
      %dma_start3A_1383 = arith.constant 0 : i32
      %dma_start3A_1384 = tpu.memref_slice %arg5[%select_n3A_372, %cond3A_1235, %dma_start3A_1382, %dma_start3A_1383] : memref<32x2x256x256xf32, #tpu.memory_space<hbm>> -> memref<1x1x128x256xf32, #tpu.memory_space<hbm>>
      %dma_start3A_1385 = tpu.memref_squeeze %dma_start3A_1384 : memref<1x1x128x256xf32, #tpu.memory_space<hbm>> -> memref<128x256xf32, #tpu.memory_space<hbm>>
      %dma_start3A_1386 = tpu.memref_slice %arg8[%cond3A_1236] : memref<3x!tpu.dma_semaphore, #tpu.memory_space<semaphore_mem>> -> memref<1x!tpu.dma_semaphore, #tpu.memory_space<semaphore_mem>>
      %dma_start3A_1387 = tpu.memref_squeeze %dma_start3A_1386 : memref<1x!tpu.dma_semaphore, #tpu.memory_space<semaphore_mem>> -> memref<!tpu.dma_semaphore, #tpu.memory_space<semaphore_mem>>
      %dma_start3A_1388 = arith.constant 128 : i32
      %dma_start3A_1389 = arith.constant 0 : i32
      %dma_start3A_1390 = tpu.memref_slice %arg5[%select_n3A_372, %cond3A_1235, %dma_start3A_1388, %dma_start3A_1389] : memref<32x2x256x256xf32, #tpu.memory_space<hbm>> -> memref<1x1x128x256xf32, #tpu.memory_space<hbm>>
      %dma_start3A_1391 = tpu.memref_squeeze %dma_start3A_1390 : memref<1x1x128x256xf32, #tpu.memory_space<hbm>> -> memref<128x256xf32, #tpu.memory_space<hbm>>
      %dma_start3A_1392 = arith.constant 0 : i32
      %dma_start3A_1393 = arith.constant 0 : i32
      %dma_start3A_1394 = tpu.memref_slice %arg6[%cond3A_1234, %dma_start3A_1392, %dma_start3A_1393] : memref<3x128x256xf32, #tpu.memory_space<vmem>> -> memref<1x128x256xf32, #tpu.memory_space<vmem>>
      %dma_start3A_1395 = tpu.memref_squeeze %dma_start3A_1394 : memref<1x128x256xf32, #tpu.memory_space<vmem>> -> memref<128x256xf32, #tpu.memory_space<vmem>>
      tpu.enqueue_dma source(%dma_start3A_1395 : memref<128x256xf32, #tpu.memory_space<vmem>>) target(%dma_start3A_1391 : memref<128x256xf32, #tpu.memory_space<hbm>>) target_semaphore(%dma_start3A_1387 : memref<!tpu.dma_semaphore, #tpu.memory_space<semaphore_mem>>)
    } else {
    }
    %convert_element_type3A_1239 = arith.extui %ne3A_750 : i1 to i32
    %cond3A_1240 = arith.constant 0 : i32
    %cond3A_1241 = arith.constant 1 : i32
    %cond3A_1242 = arith.constant 0 : i32
    %cond3A_1243 = arith.constant 0 : i32
    %cond3A_1244 = arith.cmpi ne, %convert_element_type3A_1239, %cond3A_1243 : i32
    scf.if %cond3A_1244 {
      %dma_start3A_1378 = arith.constant 0 : i32
      %dma_start3A_1379 = arith.constant 0 : i32
      %dma_start3A_1380 = tpu.memref_slice %arg6[%cond3A_1240, %dma_start3A_1378, %dma_start3A_1379] : memref<3x128x256xf32, #tpu.memory_space<vmem>> -> memref<1x128x256xf32, #tpu.memory_space<vmem>>
      %dma_start3A_1381 = tpu.memref_squeeze %dma_start3A_1380 : memref<1x128x256xf32, #tpu.memory_space<vmem>> -> memref<128x256xf32, #tpu.memory_space<vmem>>
      %dma_start3A_1382 = arith.constant 128 : i32
      %dma_start3A_1383 = arith.constant 0 : i32
      %dma_start3A_1384 = tpu.memref_slice %arg5[%select_n3A_497, %cond3A_1241, %dma_start3A_1382, %dma_start3A_1383] : memref<32x2x256x256xf32, #tpu.memory_space<hbm>> -> memref<1x1x128x256xf32, #tpu.memory_space<hbm>>
      %dma_start3A_1385 = tpu.memref_squeeze %dma_start3A_1384 : memref<1x1x128x256xf32, #tpu.memory_space<hbm>> -> memref<128x256xf32, #tpu.memory_space<hbm>>
      %dma_start3A_1386 = tpu.memref_slice %arg8[%cond3A_1242] : memref<3x!tpu.dma_semaphore, #tpu.memory_space<semaphore_mem>> -> memref<1x!tpu.dma_semaphore, #tpu.memory_space<semaphore_mem>>
      %dma_start3A_1387 = tpu.memref_squeeze %dma_start3A_1386 : memref<1x!tpu.dma_semaphore, #tpu.memory_space<semaphore_mem>> -> memref<!tpu.dma_semaphore, #tpu.memory_space<semaphore_mem>>
      %dma_start3A_1388 = arith.constant 128 : i32
      %dma_start3A_1389 = arith.constant 0 : i32
      %dma_start3A_1390 = tpu.memref_slice %arg5[%select_n3A_497, %cond3A_1241, %dma_start3A_1388, %dma_start3A_1389] : memref<32x2x256x256xf32, #tpu.memory_space<hbm>> -> memref<1x1x128x256xf32, #tpu.memory_space<hbm>>
      %dma_start3A_1391 = tpu.memref_squeeze %dma_start3A_1390 : memref<1x1x128x256xf32, #tpu.memory_space<hbm>> -> memref<128x256xf32, #tpu.memory_space<hbm>>
      %dma_start3A_1392 = arith.constant 0 : i32
      %dma_start3A_1393 = arith.constant 0 : i32
      %dma_start3A_1394 = tpu.memref_slice %arg6[%cond3A_1240, %dma_start3A_1392, %dma_start3A_1393] : memref<3x128x256xf32, #tpu.memory_space<vmem>> -> memref<1x128x256xf32, #tpu.memory_space<vmem>>
      %dma_start3A_1395 = tpu.memref_squeeze %dma_start3A_1394 : memref<1x128x256xf32, #tpu.memory_space<vmem>> -> memref<128x256xf32, #tpu.memory_space<vmem>>
      tpu.enqueue_dma source(%dma_start3A_1395 : memref<128x256xf32, #tpu.memory_space<vmem>>) target(%dma_start3A_1391 : memref<128x256xf32, #tpu.memory_space<hbm>>) target_semaphore(%dma_start3A_1387 : memref<!tpu.dma_semaphore, #tpu.memory_space<semaphore_mem>>)
    } else {
    }
    %dma_wait3A_1245 = arith.constant 1 : i32
    %dma_wait3A_1246 = arith.constant 1 : i32
    %dma_wait3A_1247 = arith.constant 0 : i32
    %dma_wait3A_1248 = arith.constant 0 : i32
    %dma_wait3A_1249 = tpu.memref_slice %arg6[%dma_wait3A_1245, %dma_wait3A_1247, %dma_wait3A_1248] : memref<3x128x256xf32, #tpu.memory_space<vmem>> -> memref<1x128x256xf32, #tpu.memory_space<vmem>>
    %dma_wait3A_1250 = tpu.memref_squeeze %dma_wait3A_1249 : memref<1x128x256xf32, #tpu.memory_space<vmem>> -> memref<128x256xf32, #tpu.memory_space<vmem>>
    %dma_wait3A_1251 = arith.constant 128 : i32
    %dma_wait3A_1252 = arith.constant 0 : i32
    %dma_wait3A_1253 = tpu.memref_slice %arg3[%select_n3A_122, %dma_wait3A_1251, %dma_wait3A_1252] : memref<1000x256x256xf32, #tpu.memory_space<hbm>> -> memref<1x128x256xf32, #tpu.memory_space<hbm>>
    %dma_wait3A_1254 = tpu.memref_squeeze %dma_wait3A_1253 : memref<1x128x256xf32, #tpu.memory_space<hbm>> -> memref<128x256xf32, #tpu.memory_space<hbm>>
    %dma_wait3A_1255 = tpu.memref_slice %arg7[%dma_wait3A_1246] : memref<3x!tpu.dma_semaphore, #tpu.memory_space<semaphore_mem>> -> memref<1x!tpu.dma_semaphore, #tpu.memory_space<semaphore_mem>>
    %dma_wait3A_1256 = tpu.memref_squeeze %dma_wait3A_1255 : memref<1x!tpu.dma_semaphore, #tpu.memory_space<semaphore_mem>> -> memref<!tpu.dma_semaphore, #tpu.memory_space<semaphore_mem>>
    %dma_wait3A_1257 = arith.constant 0 : i32
    %dma_wait3A_1258 = arith.constant 0 : i32
    %dma_wait3A_1259 = tpu.memref_slice %arg6[%dma_wait3A_1245, %dma_wait3A_1257, %dma_wait3A_1258] : memref<3x128x256xf32, #tpu.memory_space<vmem>> -> memref<1x128x256xf32, #tpu.memory_space<vmem>>
    %dma_wait3A_1260 = tpu.memref_squeeze %dma_wait3A_1259 : memref<1x128x256xf32, #tpu.memory_space<vmem>> -> memref<128x256xf32, #tpu.memory_space<vmem>>
    %dma_wait3A_1261 = arith.constant 128 : i32
    %dma_wait3A_1262 = arith.constant 0 : i32
    %dma_wait3A_1263 = tpu.memref_slice %arg3[%select_n3A_122, %dma_wait3A_1261, %dma_wait3A_1262] : memref<1000x256x256xf32, #tpu.memory_space<hbm>> -> memref<1x128x256xf32, #tpu.memory_space<hbm>>
    %dma_wait3A_1264 = tpu.memref_squeeze %dma_wait3A_1263 : memref<1x128x256xf32, #tpu.memory_space<hbm>> -> memref<128x256xf32, #tpu.memory_space<hbm>>
    tpu.wait_dma2 semaphore(%dma_wait3A_1256 : memref<!tpu.dma_semaphore, #tpu.memory_space<semaphore_mem>>) src(%dma_wait3A_1264 : memref<128x256xf32, #tpu.memory_space<hbm>>) dst(%dma_wait3A_1260 : memref<128x256xf32, #tpu.memory_space<vmem>>)
    %dma_start3A_1265 = arith.constant 1 : i32
    %dma_start3A_1266 = arith.constant 1 : i32
    %dma_start3A_1267 = arith.constant 1 : i32
    %dma_start3A_1268 = arith.constant 0 : i32
    %dma_start3A_1269 = arith.constant 0 : i32
    %dma_start3A_1270 = tpu.memref_slice %arg6[%dma_start3A_1265, %dma_start3A_1268, %dma_start3A_1269] : memref<3x128x256xf32, #tpu.memory_space<vmem>> -> memref<1x128x256xf32, #tpu.memory_space<vmem>>
    %dma_start3A_1271 = tpu.memref_squeeze %dma_start3A_1270 : memref<1x128x256xf32, #tpu.memory_space<vmem>> -> memref<128x256xf32, #tpu.memory_space<vmem>>
    %dma_start3A_1272 = arith.constant 128 : i32
    %dma_start3A_1273 = arith.constant 0 : i32
    %dma_start3A_1274 = tpu.memref_slice %arg4[%add3A, %dma_start3A_1266, %dma_start3A_1272, %dma_start3A_1273] : memref<32x2x256x256xf32, #tpu.memory_space<hbm>> -> memref<1x1x128x256xf32, #tpu.memory_space<hbm>>
    %dma_start3A_1275 = tpu.memref_squeeze %dma_start3A_1274 : memref<1x1x128x256xf32, #tpu.memory_space<hbm>> -> memref<128x256xf32, #tpu.memory_space<hbm>>
    %dma_start3A_1276 = tpu.memref_slice %arg8[%dma_start3A_1267] : memref<3x!tpu.dma_semaphore, #tpu.memory_space<semaphore_mem>> -> memref<1x!tpu.dma_semaphore, #tpu.memory_space<semaphore_mem>>
    %dma_start3A_1277 = tpu.memref_squeeze %dma_start3A_1276 : memref<1x!tpu.dma_semaphore, #tpu.memory_space<semaphore_mem>> -> memref<!tpu.dma_semaphore, #tpu.memory_space<semaphore_mem>>
    %dma_start3A_1278 = arith.constant 128 : i32
    %dma_start3A_1279 = arith.constant 0 : i32
    %dma_start3A_1280 = tpu.memref_slice %arg4[%add3A, %dma_start3A_1266, %dma_start3A_1278, %dma_start3A_1279] : memref<32x2x256x256xf32, #tpu.memory_space<hbm>> -> memref<1x1x128x256xf32, #tpu.memory_space<hbm>>
    %dma_start3A_1281 = tpu.memref_squeeze %dma_start3A_1280 : memref<1x1x128x256xf32, #tpu.memory_space<hbm>> -> memref<128x256xf32, #tpu.memory_space<hbm>>
    %dma_start3A_1282 = arith.constant 0 : i32
    %dma_start3A_1283 = arith.constant 0 : i32
    %dma_start3A_1284 = tpu.memref_slice %arg6[%dma_start3A_1265, %dma_start3A_1282, %dma_start3A_1283] : memref<3x128x256xf32, #tpu.memory_space<vmem>> -> memref<1x128x256xf32, #tpu.memory_space<vmem>>
    %dma_start3A_1285 = tpu.memref_squeeze %dma_start3A_1284 : memref<1x128x256xf32, #tpu.memory_space<vmem>> -> memref<128x256xf32, #tpu.memory_space<vmem>>
    tpu.enqueue_dma source(%dma_start3A_1285 : memref<128x256xf32, #tpu.memory_space<vmem>>) target(%dma_start3A_1281 : memref<128x256xf32, #tpu.memory_space<hbm>>) target_semaphore(%dma_start3A_1277 : memref<!tpu.dma_semaphore, #tpu.memory_space<semaphore_mem>>)
    %convert_element_type3A_1286 = arith.extui %ne3A_877 : i1 to i32
    %cond3A_1287 = arith.constant 2 : i32
    %cond3A_1288 = arith.constant 2 : i32
    %cond3A_1289 = arith.constant 0 : i32
    %cond3A_1290 = arith.cmpi ne, %convert_element_type3A_1286, %cond3A_1289 : i32
    scf.if %cond3A_1290 {
      %dma_wait3A_1378 = arith.constant 0 : i32
      %dma_wait3A_1379 = arith.constant 0 : i32
      %dma_wait3A_1380 = tpu.memref_slice %arg6[%cond3A_1287, %dma_wait3A_1378, %dma_wait3A_1379] : memref<3x128x256xf32, #tpu.memory_space<vmem>> -> memref<1x128x256xf32, #tpu.memory_space<vmem>>
      %dma_wait3A_1381 = tpu.memref_squeeze %dma_wait3A_1380 : memref<1x128x256xf32, #tpu.memory_space<vmem>> -> memref<128x256xf32, #tpu.memory_space<vmem>>
      %dma_wait3A_1382 = arith.constant 128 : i32
      %dma_wait3A_1383 = arith.constant 0 : i32
      %dma_wait3A_1384 = tpu.memref_slice %arg2[%select_n3A_247, %dma_wait3A_1382, %dma_wait3A_1383] : memref<32x256x256xf32, #tpu.memory_space<hbm>> -> memref<1x128x256xf32, #tpu.memory_space<hbm>>
      %dma_wait3A_1385 = tpu.memref_squeeze %dma_wait3A_1384 : memref<1x128x256xf32, #tpu.memory_space<hbm>> -> memref<128x256xf32, #tpu.memory_space<hbm>>
      %dma_wait3A_1386 = tpu.memref_slice %arg7[%cond3A_1288] : memref<3x!tpu.dma_semaphore, #tpu.memory_space<semaphore_mem>> -> memref<1x!tpu.dma_semaphore, #tpu.memory_space<semaphore_mem>>
      %dma_wait3A_1387 = tpu.memref_squeeze %dma_wait3A_1386 : memref<1x!tpu.dma_semaphore, #tpu.memory_space<semaphore_mem>> -> memref<!tpu.dma_semaphore, #tpu.memory_space<semaphore_mem>>
      %dma_wait3A_1388 = arith.constant 0 : i32
      %dma_wait3A_1389 = arith.constant 0 : i32
      %dma_wait3A_1390 = tpu.memref_slice %arg6[%cond3A_1287, %dma_wait3A_1388, %dma_wait3A_1389] : memref<3x128x256xf32, #tpu.memory_space<vmem>> -> memref<1x128x256xf32, #tpu.memory_space<vmem>>
      %dma_wait3A_1391 = tpu.memref_squeeze %dma_wait3A_1390 : memref<1x128x256xf32, #tpu.memory_space<vmem>> -> memref<128x256xf32, #tpu.memory_space<vmem>>
      %dma_wait3A_1392 = arith.constant 128 : i32
      %dma_wait3A_1393 = arith.constant 0 : i32
      %dma_wait3A_1394 = tpu.memref_slice %arg2[%select_n3A_247, %dma_wait3A_1392, %dma_wait3A_1393] : memref<32x256x256xf32, #tpu.memory_space<hbm>> -> memref<1x128x256xf32, #tpu.memory_space<hbm>>
      %dma_wait3A_1395 = tpu.memref_squeeze %dma_wait3A_1394 : memref<1x128x256xf32, #tpu.memory_space<hbm>> -> memref<128x256xf32, #tpu.memory_space<hbm>>
      tpu.wait_dma2 semaphore(%dma_wait3A_1387 : memref<!tpu.dma_semaphore, #tpu.memory_space<semaphore_mem>>) src(%dma_wait3A_1395 : memref<128x256xf32, #tpu.memory_space<hbm>>) dst(%dma_wait3A_1391 : memref<128x256xf32, #tpu.memory_space<vmem>>)
    } else {
    }
    %convert_element_type3A_1291 = arith.extui %ne3A_877 : i1 to i32
    %cond3A_1292 = arith.constant 2 : i32
    %cond3A_1293 = arith.constant 1 : i32
    %cond3A_1294 = arith.constant 2 : i32
    %cond3A_1295 = arith.constant 0 : i32
    %cond3A_1296 = arith.cmpi ne, %convert_element_type3A_1291, %cond3A_1295 : i32
    scf.if %cond3A_1296 {
      %dma_start3A_1378 = arith.constant 0 : i32
      %dma_start3A_1379 = arith.constant 0 : i32
      %dma_start3A_1380 = tpu.memref_slice %arg6[%cond3A_1292, %dma_start3A_1378, %dma_start3A_1379] : memref<3x128x256xf32, #tpu.memory_space<vmem>> -> memref<1x128x256xf32, #tpu.memory_space<vmem>>
      %dma_start3A_1381 = tpu.memref_squeeze %dma_start3A_1380 : memref<1x128x256xf32, #tpu.memory_space<vmem>> -> memref<128x256xf32, #tpu.memory_space<vmem>>
      %dma_start3A_1382 = arith.constant 128 : i32
      %dma_start3A_1383 = arith.constant 0 : i32
      %dma_start3A_1384 = tpu.memref_slice %arg5[%add3A, %cond3A_1293, %dma_start3A_1382, %dma_start3A_1383] : memref<32x2x256x256xf32, #tpu.memory_space<hbm>> -> memref<1x1x128x256xf32, #tpu.memory_space<hbm>>
      %dma_start3A_1385 = tpu.memref_squeeze %dma_start3A_1384 : memref<1x1x128x256xf32, #tpu.memory_space<hbm>> -> memref<128x256xf32, #tpu.memory_space<hbm>>
      %dma_start3A_1386 = tpu.memref_slice %arg8[%cond3A_1294] : memref<3x!tpu.dma_semaphore, #tpu.memory_space<semaphore_mem>> -> memref<1x!tpu.dma_semaphore, #tpu.memory_space<semaphore_mem>>
      %dma_start3A_1387 = tpu.memref_squeeze %dma_start3A_1386 : memref<1x!tpu.dma_semaphore, #tpu.memory_space<semaphore_mem>> -> memref<!tpu.dma_semaphore, #tpu.memory_space<semaphore_mem>>
      %dma_start3A_1388 = arith.constant 128 : i32
      %dma_start3A_1389 = arith.constant 0 : i32
      %dma_start3A_1390 = tpu.memref_slice %arg5[%add3A, %cond3A_1293, %dma_start3A_1388, %dma_start3A_1389] : memref<32x2x256x256xf32, #tpu.memory_space<hbm>> -> memref<1x1x128x256xf32, #tpu.memory_space<hbm>>
      %dma_start3A_1391 = tpu.memref_squeeze %dma_start3A_1390 : memref<1x1x128x256xf32, #tpu.memory_space<hbm>> -> memref<128x256xf32, #tpu.memory_space<hbm>>
      %dma_start3A_1392 = arith.constant 0 : i32
      %dma_start3A_1393 = arith.constant 0 : i32
      %dma_start3A_1394 = tpu.memref_slice %arg6[%cond3A_1292, %dma_start3A_1392, %dma_start3A_1393] : memref<3x128x256xf32, #tpu.memory_space<vmem>> -> memref<1x128x256xf32, #tpu.memory_space<vmem>>
      %dma_start3A_1395 = tpu.memref_squeeze %dma_start3A_1394 : memref<1x128x256xf32, #tpu.memory_space<vmem>> -> memref<128x256xf32, #tpu.memory_space<vmem>>
      tpu.enqueue_dma source(%dma_start3A_1395 : memref<128x256xf32, #tpu.memory_space<vmem>>) target(%dma_start3A_1391 : memref<128x256xf32, #tpu.memory_space<hbm>>) target_semaphore(%dma_start3A_1387 : memref<!tpu.dma_semaphore, #tpu.memory_space<semaphore_mem>>)
    } else {
    }
    %dma_wait3A_1297 = arith.constant 0 : i32
    %dma_wait3A_1298 = arith.constant 0 : i32
    %dma_wait3A_1299 = arith.constant 0 : i32
    %dma_wait3A_1300 = arith.constant 0 : i32
    %dma_wait3A_1301 = arith.constant 0 : i32
    %dma_wait3A_1302 = tpu.memref_slice %arg6[%dma_wait3A_1297, %dma_wait3A_1300, %dma_wait3A_1301] : memref<3x128x256xf32, #tpu.memory_space<vmem>> -> memref<1x128x256xf32, #tpu.memory_space<vmem>>
    %dma_wait3A_1303 = tpu.memref_squeeze %dma_wait3A_1302 : memref<1x128x256xf32, #tpu.memory_space<vmem>> -> memref<128x256xf32, #tpu.memory_space<vmem>>
    %dma_wait3A_1304 = arith.constant 128 : i32
    %dma_wait3A_1305 = arith.constant 0 : i32
    %dma_wait3A_1306 = tpu.memref_slice %arg4[%add3A, %dma_wait3A_1298, %dma_wait3A_1304, %dma_wait3A_1305] : memref<32x2x256x256xf32, #tpu.memory_space<hbm>> -> memref<1x1x128x256xf32, #tpu.memory_space<hbm>>
    %dma_wait3A_1307 = tpu.memref_squeeze %dma_wait3A_1306 : memref<1x1x128x256xf32, #tpu.memory_space<hbm>> -> memref<128x256xf32, #tpu.memory_space<hbm>>
    %dma_wait3A_1308 = tpu.memref_slice %arg8[%dma_wait3A_1299] : memref<3x!tpu.dma_semaphore, #tpu.memory_space<semaphore_mem>> -> memref<1x!tpu.dma_semaphore, #tpu.memory_space<semaphore_mem>>
    %dma_wait3A_1309 = tpu.memref_squeeze %dma_wait3A_1308 : memref<1x!tpu.dma_semaphore, #tpu.memory_space<semaphore_mem>> -> memref<!tpu.dma_semaphore, #tpu.memory_space<semaphore_mem>>
    %dma_wait3A_1310 = arith.constant 128 : i32
    %dma_wait3A_1311 = arith.constant 0 : i32
    %dma_wait3A_1312 = tpu.memref_slice %arg4[%add3A, %dma_wait3A_1298, %dma_wait3A_1310, %dma_wait3A_1311] : memref<32x2x256x256xf32, #tpu.memory_space<hbm>> -> memref<1x1x128x256xf32, #tpu.memory_space<hbm>>
    %dma_wait3A_1313 = tpu.memref_squeeze %dma_wait3A_1312 : memref<1x1x128x256xf32, #tpu.memory_space<hbm>> -> memref<128x256xf32, #tpu.memory_space<hbm>>
    %dma_wait3A_1314 = arith.constant 0 : i32
    %dma_wait3A_1315 = arith.constant 0 : i32
    %dma_wait3A_1316 = tpu.memref_slice %arg6[%dma_wait3A_1297, %dma_wait3A_1314, %dma_wait3A_1315] : memref<3x128x256xf32, #tpu.memory_space<vmem>> -> memref<1x128x256xf32, #tpu.memory_space<vmem>>
    %dma_wait3A_1317 = tpu.memref_squeeze %dma_wait3A_1316 : memref<1x128x256xf32, #tpu.memory_space<vmem>> -> memref<128x256xf32, #tpu.memory_space<vmem>>
    tpu.wait_dma2 semaphore(%dma_wait3A_1309 : memref<!tpu.dma_semaphore, #tpu.memory_space<semaphore_mem>>) src(%dma_wait3A_1317 : memref<128x256xf32, #tpu.memory_space<vmem>>) dst(%dma_wait3A_1313 : memref<128x256xf32, #tpu.memory_space<hbm>>)
    %dma_wait3A_1318 = arith.constant 0 : i32
    %dma_wait3A_1319 = arith.constant 0 : i32
    %dma_wait3A_1320 = arith.constant 0 : i32
    %dma_wait3A_1321 = arith.constant 0 : i32
    %dma_wait3A_1322 = arith.constant 0 : i32
    %dma_wait3A_1323 = tpu.memref_slice %arg6[%dma_wait3A_1318, %dma_wait3A_1321, %dma_wait3A_1322] : memref<3x128x256xf32, #tpu.memory_space<vmem>> -> memref<1x128x256xf32, #tpu.memory_space<vmem>>
    %dma_wait3A_1324 = tpu.memref_squeeze %dma_wait3A_1323 : memref<1x128x256xf32, #tpu.memory_space<vmem>> -> memref<128x256xf32, #tpu.memory_space<vmem>>
    %dma_wait3A_1325 = arith.constant 128 : i32
    %dma_wait3A_1326 = arith.constant 0 : i32
    %dma_wait3A_1327 = tpu.memref_slice %arg5[%add3A, %dma_wait3A_1319, %dma_wait3A_1325, %dma_wait3A_1326] : memref<32x2x256x256xf32, #tpu.memory_space<hbm>> -> memref<1x1x128x256xf32, #tpu.memory_space<hbm>>
    %dma_wait3A_1328 = tpu.memref_squeeze %dma_wait3A_1327 : memref<1x1x128x256xf32, #tpu.memory_space<hbm>> -> memref<128x256xf32, #tpu.memory_space<hbm>>
    %dma_wait3A_1329 = tpu.memref_slice %arg8[%dma_wait3A_1320] : memref<3x!tpu.dma_semaphore, #tpu.memory_space<semaphore_mem>> -> memref<1x!tpu.dma_semaphore, #tpu.memory_space<semaphore_mem>>
    %dma_wait3A_1330 = tpu.memref_squeeze %dma_wait3A_1329 : memref<1x!tpu.dma_semaphore, #tpu.memory_space<semaphore_mem>> -> memref<!tpu.dma_semaphore, #tpu.memory_space<semaphore_mem>>
    %dma_wait3A_1331 = arith.constant 128 : i32
    %dma_wait3A_1332 = arith.constant 0 : i32
    %dma_wait3A_1333 = tpu.memref_slice %arg5[%add3A, %dma_wait3A_1319, %dma_wait3A_1331, %dma_wait3A_1332] : memref<32x2x256x256xf32, #tpu.memory_space<hbm>> -> memref<1x1x128x256xf32, #tpu.memory_space<hbm>>
    %dma_wait3A_1334 = tpu.memref_squeeze %dma_wait3A_1333 : memref<1x1x128x256xf32, #tpu.memory_space<hbm>> -> memref<128x256xf32, #tpu.memory_space<hbm>>
    %dma_wait3A_1335 = arith.constant 0 : i32
    %dma_wait3A_1336 = arith.constant 0 : i32
    %dma_wait3A_1337 = tpu.memref_slice %arg6[%dma_wait3A_1318, %dma_wait3A_1335, %dma_wait3A_1336] : memref<3x128x256xf32, #tpu.memory_space<vmem>> -> memref<1x128x256xf32, #tpu.memory_space<vmem>>
    %dma_wait3A_1338 = tpu.memref_squeeze %dma_wait3A_1337 : memref<1x128x256xf32, #tpu.memory_space<vmem>> -> memref<128x256xf32, #tpu.memory_space<vmem>>
    tpu.wait_dma2 semaphore(%dma_wait3A_1330 : memref<!tpu.dma_semaphore, #tpu.memory_space<semaphore_mem>>) src(%dma_wait3A_1338 : memref<128x256xf32, #tpu.memory_space<vmem>>) dst(%dma_wait3A_1334 : memref<128x256xf32, #tpu.memory_space<hbm>>)
    %convert_element_type3A_1339 = arith.extui %ne3A_623 : i1 to i32
    %cond3A_1340 = arith.constant 0 : i32
    %cond3A_1341 = arith.constant 1 : i32
    %cond3A_1342 = arith.constant 0 : i32
    %cond3A_1343 = arith.constant 0 : i32
    %cond3A_1344 = arith.cmpi ne, %convert_element_type3A_1339, %cond3A_1343 : i32
    scf.if %cond3A_1344 {
      %dma_wait3A_1378 = arith.constant 0 : i32
      %dma_wait3A_1379 = arith.constant 0 : i32
      %dma_wait3A_1380 = tpu.memref_slice %arg6[%cond3A_1340, %dma_wait3A_1378, %dma_wait3A_1379] : memref<3x128x256xf32, #tpu.memory_space<vmem>> -> memref<1x128x256xf32, #tpu.memory_space<vmem>>
      %dma_wait3A_1381 = tpu.memref_squeeze %dma_wait3A_1380 : memref<1x128x256xf32, #tpu.memory_space<vmem>> -> memref<128x256xf32, #tpu.memory_space<vmem>>
      %dma_wait3A_1382 = arith.constant 128 : i32
      %dma_wait3A_1383 = arith.constant 0 : i32
      %dma_wait3A_1384 = tpu.memref_slice %arg5[%select_n3A_372, %cond3A_1341, %dma_wait3A_1382, %dma_wait3A_1383] : memref<32x2x256x256xf32, #tpu.memory_space<hbm>> -> memref<1x1x128x256xf32, #tpu.memory_space<hbm>>
      %dma_wait3A_1385 = tpu.memref_squeeze %dma_wait3A_1384 : memref<1x1x128x256xf32, #tpu.memory_space<hbm>> -> memref<128x256xf32, #tpu.memory_space<hbm>>
      %dma_wait3A_1386 = tpu.memref_slice %arg8[%cond3A_1342] : memref<3x!tpu.dma_semaphore, #tpu.memory_space<semaphore_mem>> -> memref<1x!tpu.dma_semaphore, #tpu.memory_space<semaphore_mem>>
      %dma_wait3A_1387 = tpu.memref_squeeze %dma_wait3A_1386 : memref<1x!tpu.dma_semaphore, #tpu.memory_space<semaphore_mem>> -> memref<!tpu.dma_semaphore, #tpu.memory_space<semaphore_mem>>
      %dma_wait3A_1388 = arith.constant 128 : i32
      %dma_wait3A_1389 = arith.constant 0 : i32
      %dma_wait3A_1390 = tpu.memref_slice %arg5[%select_n3A_372, %cond3A_1341, %dma_wait3A_1388, %dma_wait3A_1389] : memref<32x2x256x256xf32, #tpu.memory_space<hbm>> -> memref<1x1x128x256xf32, #tpu.memory_space<hbm>>
      %dma_wait3A_1391 = tpu.memref_squeeze %dma_wait3A_1390 : memref<1x1x128x256xf32, #tpu.memory_space<hbm>> -> memref<128x256xf32, #tpu.memory_space<hbm>>
      %dma_wait3A_1392 = arith.constant 0 : i32
      %dma_wait3A_1393 = arith.constant 0 : i32
      %dma_wait3A_1394 = tpu.memref_slice %arg6[%cond3A_1340, %dma_wait3A_1392, %dma_wait3A_1393] : memref<3x128x256xf32, #tpu.memory_space<vmem>> -> memref<1x128x256xf32, #tpu.memory_space<vmem>>
      %dma_wait3A_1395 = tpu.memref_squeeze %dma_wait3A_1394 : memref<1x128x256xf32, #tpu.memory_space<vmem>> -> memref<128x256xf32, #tpu.memory_space<vmem>>
      tpu.wait_dma2 semaphore(%dma_wait3A_1387 : memref<!tpu.dma_semaphore, #tpu.memory_space<semaphore_mem>>) src(%dma_wait3A_1395 : memref<128x256xf32, #tpu.memory_space<vmem>>) dst(%dma_wait3A_1391 : memref<128x256xf32, #tpu.memory_space<hbm>>)
    } else {
    }
    %convert_element_type3A_1345 = arith.extui %ne3A_750 : i1 to i32
    %cond3A_1346 = arith.constant 0 : i32
    %cond3A_1347 = arith.constant 1 : i32
    %cond3A_1348 = arith.constant 0 : i32
    %cond3A_1349 = arith.constant 0 : i32
    %cond3A_1350 = arith.cmpi ne, %convert_element_type3A_1345, %cond3A_1349 : i32
    scf.if %cond3A_1350 {
      %dma_wait3A_1378 = arith.constant 0 : i32
      %dma_wait3A_1379 = arith.constant 0 : i32
      %dma_wait3A_1380 = tpu.memref_slice %arg6[%cond3A_1346, %dma_wait3A_1378, %dma_wait3A_1379] : memref<3x128x256xf32, #tpu.memory_space<vmem>> -> memref<1x128x256xf32, #tpu.memory_space<vmem>>
      %dma_wait3A_1381 = tpu.memref_squeeze %dma_wait3A_1380 : memref<1x128x256xf32, #tpu.memory_space<vmem>> -> memref<128x256xf32, #tpu.memory_space<vmem>>
      %dma_wait3A_1382 = arith.constant 128 : i32
      %dma_wait3A_1383 = arith.constant 0 : i32
      %dma_wait3A_1384 = tpu.memref_slice %arg5[%select_n3A_497, %cond3A_1347, %dma_wait3A_1382, %dma_wait3A_1383] : memref<32x2x256x256xf32, #tpu.memory_space<hbm>> -> memref<1x1x128x256xf32, #tpu.memory_space<hbm>>
      %dma_wait3A_1385 = tpu.memref_squeeze %dma_wait3A_1384 : memref<1x1x128x256xf32, #tpu.memory_space<hbm>> -> memref<128x256xf32, #tpu.memory_space<hbm>>
      %dma_wait3A_1386 = tpu.memref_slice %arg8[%cond3A_1348] : memref<3x!tpu.dma_semaphore, #tpu.memory_space<semaphore_mem>> -> memref<1x!tpu.dma_semaphore, #tpu.memory_space<semaphore_mem>>
      %dma_wait3A_1387 = tpu.memref_squeeze %dma_wait3A_1386 : memref<1x!tpu.dma_semaphore, #tpu.memory_space<semaphore_mem>> -> memref<!tpu.dma_semaphore, #tpu.memory_space<semaphore_mem>>
      %dma_wait3A_1388 = arith.constant 128 : i32
      %dma_wait3A_1389 = arith.constant 0 : i32
      %dma_wait3A_1390 = tpu.memref_slice %arg5[%select_n3A_497, %cond3A_1347, %dma_wait3A_1388, %dma_wait3A_1389] : memref<32x2x256x256xf32, #tpu.memory_space<hbm>> -> memref<1x1x128x256xf32, #tpu.memory_space<hbm>>
      %dma_wait3A_1391 = tpu.memref_squeeze %dma_wait3A_1390 : memref<1x1x128x256xf32, #tpu.memory_space<hbm>> -> memref<128x256xf32, #tpu.memory_space<hbm>>
      %dma_wait3A_1392 = arith.constant 0 : i32
      %dma_wait3A_1393 = arith.constant 0 : i32
      %dma_wait3A_1394 = tpu.memref_slice %arg6[%cond3A_1346, %dma_wait3A_1392, %dma_wait3A_1393] : memref<3x128x256xf32, #tpu.memory_space<vmem>> -> memref<1x128x256xf32, #tpu.memory_space<vmem>>
      %dma_wait3A_1395 = tpu.memref_squeeze %dma_wait3A_1394 : memref<1x128x256xf32, #tpu.memory_space<vmem>> -> memref<128x256xf32, #tpu.memory_space<vmem>>
      tpu.wait_dma2 semaphore(%dma_wait3A_1387 : memref<!tpu.dma_semaphore, #tpu.memory_space<semaphore_mem>>) src(%dma_wait3A_1395 : memref<128x256xf32, #tpu.memory_space<vmem>>) dst(%dma_wait3A_1391 : memref<128x256xf32, #tpu.memory_space<hbm>>)
    } else {
    }
    %dma_wait3A_1351 = arith.constant 1 : i32
    %dma_wait3A_1352 = arith.constant 1 : i32
    %dma_wait3A_1353 = arith.constant 1 : i32
    %dma_wait3A_1354 = arith.constant 0 : i32
    %dma_wait3A_1355 = arith.constant 0 : i32
    %dma_wait3A_1356 = tpu.memref_slice %arg6[%dma_wait3A_1351, %dma_wait3A_1354, %dma_wait3A_1355] : memref<3x128x256xf32, #tpu.memory_space<vmem>> -> memref<1x128x256xf32, #tpu.memory_space<vmem>>
    %dma_wait3A_1357 = tpu.memref_squeeze %dma_wait3A_1356 : memref<1x128x256xf32, #tpu.memory_space<vmem>> -> memref<128x256xf32, #tpu.memory_space<vmem>>
    %dma_wait3A_1358 = arith.constant 128 : i32
    %dma_wait3A_1359 = arith.constant 0 : i32
    %dma_wait3A_1360 = tpu.memref_slice %arg4[%add3A, %dma_wait3A_1352, %dma_wait3A_1358, %dma_wait3A_1359] : memref<32x2x256x256xf32, #tpu.memory_space<hbm>> -> memref<1x1x128x256xf32, #tpu.memory_space<hbm>>
    %dma_wait3A_1361 = tpu.memref_squeeze %dma_wait3A_1360 : memref<1x1x128x256xf32, #tpu.memory_space<hbm>> -> memref<128x256xf32, #tpu.memory_space<hbm>>
    %dma_wait3A_1362 = tpu.memref_slice %arg8[%dma_wait3A_1353] : memref<3x!tpu.dma_semaphore, #tpu.memory_space<semaphore_mem>> -> memref<1x!tpu.dma_semaphore, #tpu.memory_space<semaphore_mem>>
    %dma_wait3A_1363 = tpu.memref_squeeze %dma_wait3A_1362 : memref<1x!tpu.dma_semaphore, #tpu.memory_space<semaphore_mem>> -> memref<!tpu.dma_semaphore, #tpu.memory_space<semaphore_mem>>
    %dma_wait3A_1364 = arith.constant 128 : i32
    %dma_wait3A_1365 = arith.constant 0 : i32
    %dma_wait3A_1366 = tpu.memref_slice %arg4[%add3A, %dma_wait3A_1352, %dma_wait3A_1364, %dma_wait3A_1365] : memref<32x2x256x256xf32, #tpu.memory_space<hbm>> -> memref<1x1x128x256xf32, #tpu.memory_space<hbm>>
    %dma_wait3A_1367 = tpu.memref_squeeze %dma_wait3A_1366 : memref<1x1x128x256xf32, #tpu.memory_space<hbm>> -> memref<128x256xf32, #tpu.memory_space<hbm>>
    %dma_wait3A_1368 = arith.constant 0 : i32
    %dma_wait3A_1369 = arith.constant 0 : i32
    %dma_wait3A_1370 = tpu.memref_slice %arg6[%dma_wait3A_1351, %dma_wait3A_1368, %dma_wait3A_1369] : memref<3x128x256xf32, #tpu.memory_space<vmem>> -> memref<1x128x256xf32, #tpu.memory_space<vmem>>
    %dma_wait3A_1371 = tpu.memref_squeeze %dma_wait3A_1370 : memref<1x128x256xf32, #tpu.memory_space<vmem>> -> memref<128x256xf32, #tpu.memory_space<vmem>>
    tpu.wait_dma2 semaphore(%dma_wait3A_1363 : memref<!tpu.dma_semaphore, #tpu.memory_space<semaphore_mem>>) src(%dma_wait3A_1371 : memref<128x256xf32, #tpu.memory_space<vmem>>) dst(%dma_wait3A_1367 : memref<128x256xf32, #tpu.memory_space<hbm>>)
    %convert_element_type3A_1372 = arith.extui %ne3A_877 : i1 to i32
    %cond3A_1373 = arith.constant 2 : i32
    %cond3A_1374 = arith.constant 1 : i32
    %cond3A_1375 = arith.constant 2 : i32
    %cond3A_1376 = arith.constant 0 : i32
    %cond3A_1377 = arith.cmpi ne, %convert_element_type3A_1372, %cond3A_1376 : i32
    scf.if %cond3A_1377 {
      %dma_wait3A_1378 = arith.constant 0 : i32
      %dma_wait3A_1379 = arith.constant 0 : i32
      %dma_wait3A_1380 = tpu.memref_slice %arg6[%cond3A_1373, %dma_wait3A_1378, %dma_wait3A_1379] : memref<3x128x256xf32, #tpu.memory_space<vmem>> -> memref<1x128x256xf32, #tpu.memory_space<vmem>>
      %dma_wait3A_1381 = tpu.memref_squeeze %dma_wait3A_1380 : memref<1x128x256xf32, #tpu.memory_space<vmem>> -> memref<128x256xf32, #tpu.memory_space<vmem>>
      %dma_wait3A_1382 = arith.constant 128 : i32
      %dma_wait3A_1383 = arith.constant 0 : i32
      %dma_wait3A_1384 = tpu.memref_slice %arg5[%add3A, %cond3A_1374, %dma_wait3A_1382, %dma_wait3A_1383] : memref<32x2x256x256xf32, #tpu.memory_space<hbm>> -> memref<1x1x128x256xf32, #tpu.memory_space<hbm>>
      %dma_wait3A_1385 = tpu.memref_squeeze %dma_wait3A_1384 : memref<1x1x128x256xf32, #tpu.memory_space<hbm>> -> memref<128x256xf32, #tpu.memory_space<hbm>>
      %dma_wait3A_1386 = tpu.memref_slice %arg8[%cond3A_1375] : memref<3x!tpu.dma_semaphore, #tpu.memory_space<semaphore_mem>> -> memref<1x!tpu.dma_semaphore, #tpu.memory_space<semaphore_mem>>
      %dma_wait3A_1387 = tpu.memref_squeeze %dma_wait3A_1386 : memref<1x!tpu.dma_semaphore, #tpu.memory_space<semaphore_mem>> -> memref<!tpu.dma_semaphore, #tpu.memory_space<semaphore_mem>>
      %dma_wait3A_1388 = arith.constant 128 : i32
      %dma_wait3A_1389 = arith.constant 0 : i32
      %dma_wait3A_1390 = tpu.memref_slice %arg5[%add3A, %cond3A_1374, %dma_wait3A_1388, %dma_wait3A_1389] : memref<32x2x256x256xf32, #tpu.memory_space<hbm>> -> memref<1x1x128x256xf32, #tpu.memory_space<hbm>>
      %dma_wait3A_1391 = tpu.memref_squeeze %dma_wait3A_1390 : memref<1x1x128x256xf32, #tpu.memory_space<hbm>> -> memref<128x256xf32, #tpu.memory_space<hbm>>
      %dma_wait3A_1392 = arith.constant 0 : i32
      %dma_wait3A_1393 = arith.constant 0 : i32
      %dma_wait3A_1394 = tpu.memref_slice %arg6[%cond3A_1373, %dma_wait3A_1392, %dma_wait3A_1393] : memref<3x128x256xf32, #tpu.memory_space<vmem>> -> memref<1x128x256xf32, #tpu.memory_space<vmem>>
      %dma_wait3A_1395 = tpu.memref_squeeze %dma_wait3A_1394 : memref<1x128x256xf32, #tpu.memory_space<vmem>> -> memref<128x256xf32, #tpu.memory_space<vmem>>
      tpu.wait_dma2 semaphore(%dma_wait3A_1387 : memref<!tpu.dma_semaphore, #tpu.memory_space<semaphore_mem>>) src(%dma_wait3A_1395 : memref<128x256xf32, #tpu.memory_space<vmem>>) dst(%dma_wait3A_1391 : memref<128x256xf32, #tpu.memory_space<hbm>>)
    } else {
    }
    return
  }
}

</mosaic_0001>

<sc_bundles>
// kernel: _pair_sample_sc.3.cloned.1.call-start
scs
__scs_entry_jumppad:
0x0: {  	(pc) =	sbr.rel $0x88, $3  }
0x1: {  	(tag) =	ssettag $0x0;
	lr =	simm.s32 $0x1  }
0x2: {  	[smem:$0x3F9F] =	sst lr;
	_ =	strace $0xD0000000  }
0x3: {  	_ = 	snop  }
0x4: {  	_ = 	snop  }
0x5: {  	_ = 	snop  }
0x6: {  	_ = 	snop  }
0x7: {  	_ = 	snop  }
__scs_overlays_trampoline_lowered:
0x8: {  	[smem:$0x3FAE] =	sst s0  }
0x9: {  	[smem:$0x3FAF] =	sst s1  }
0xa: {  	[smem:$0x3FB0] =	sst s2  }
0xb: {  	[smem:$0x3FB1] =	sst s3  }
0xc: {  	[smem:$0x3FB2] =	sst s4  }
0xd: {  	[smem:$0x3FB3] =	sst s5  }
0xe: {  	[smem:$0x3FB4] =	sst s6  }
0xf: {  	[smem:$0x3FB5] =	sst s7  }
0x10: {  	[smem:$0x3FB6] =	sst s8  }
0x11: {  	[smem:$0x3FB7] =	sst s9;
	s0 =	simm.s32 @!p0 $0x0  }
0x12: {  	s1 =	sld [smem:$0x3F9D];
	s0 =	simm.s32 @p0 $0x1  }
0x13: {  	[smem:$0x3FB8] =	sst s0;
	s0 =	simm.s32 @!p1 $0x0  }
0x14: {  	s2 =	sld [smem:$0x3F9C];
	s0 =	simm.s32 @p1 $0x1  }
0x15: {  	[smem:$0x3FB9] =	sst s0;
	s0 =	simm.s32 @!p2 $0x0  }
0x16: {  	s3 =	sld [smem:$0x3FDB];
	s0 =	simm.s32 @p2 $0x1  }
0x17: {  	s4 =	simm.s32 $0x1BF5;
	[smem:$0x3FBB] =	sst s0  }
0x18: {  	s0 =	sld [smem:$0x3F9E];
	_ =	swait.ge [sflag:s4], $0x0  }
0x19: {  	s7 =	sld [smem:$0x3F9F]  }
0x1a: {  	s8 =	sadd.s32 $0xFFFFE003, lr  }
0x1b: {  	s9 =	sadd.s32 $0xFFFFFEF7, lr;
	s5 =	simm.s32 $0xFFFFFFFF;
	p2 =	slt.u32 s8, $0xFFFFF086  }
0x1c: {  	p1 =	slt.u32 s9, $0xF7A;
	s5 =	simm.s32 @!p2 $0x0  }
0x1d: {  	s5 =	simm.s32 @p1 $0x1;
	p0 =	seq.s32 s7, s2  }
0x1e: {  	s7 =	smul.u32 @!p0 $0xF7A, s2;
	p2 =	seq.s32 @!p0 s5, $0x0  }
0x1f: {  	s9 =	smul.u32 $0xF7A, s1;
	s8 =	simm.s32 @!p0 $0x1BF5;
	p2 =	por !p2, p0  }
0x20: {  	[sflag:s8] =	ssyncset.s32 @!p0 $0xFFFFF086;
	s6 =	sadd.s32 @!p0 s3, s7;
	s7 =	simm.s32 @!p0 $0x108  }
0x21: {  	s3 =	sadd.s32 s3, s9;
	s6 =	sadd.s32 @!p0 $0x88, s6;
	s7 =	simm.s32 @p2 $0x1082  }
0x22: {  	[simem:s7], [sflag:s8] =	dma.local @!p0 [hbm:s6], $0xF7A  }
0x23: {  	s9 =	sor.u32 $0xD0000000, s2;
	s6 =	simm.s32 $0x108;
	_ =	swait.ge @!p0 [sflag:s8], $0x0  }
0x24: {  	s3 =	sadd.s32 $0x88, s3;
	s6 =	simm.s32 @!p1 $0x1082;
	[sflag:s4] =	ssyncset.s32 $0xFFFFF086  }
0x25: {  	[simem:s6], [sflag:s4] =	dma.local [hbm:s3], $0xF7A  }
0x26: {  	[smem:$0x3F9F] =	sst s1;
	(tag) =	ssettag s2;
	_ =	strace s9  }
0x27: {  	s1 =	sld [smem:$0x3FAF]  }
0x28: {  	s2 =	sld [smem:$0x3FB0]  }
0x29: {  	s4 =	sld [smem:$0x3FB2]  }
0x2a: {  	p0 =	seq.s32 s5, $0x0;
	s5 =	sld [smem:$0x3FB3]  }
0x2b: {  	s6 =	sld [smem:$0x3FB4]  }
0x2c: {  	s7 =	sld [smem:$0x3FB5]  }
0x2d: {  	s3 =	simm.s32 $0x108;
	s8 =	sld [smem:$0x3FB6]  }
0x2e: {  	s3 =	simm.s32 @!p0 $0x1082;
	s9 =	sld [smem:$0x3FB7]  }
0x2f: {  	lr =	sadd.s32 s0, s3;
	s0 =	sld [smem:$0x3FAE]  }
0x30: {  	s3 =	sld [smem:$0x3FB1]  }
0x31: {  	[smem:$0x3FBA] =	sst s10  }
0x32: {  	s10 =	sld [smem:$0x3FB8];
	_ =	sdelay $0x3  }
0x33: {  	p0 =	seq.s32 s10, $0x1;
	s10 =	sld [smem:$0x3FBA];
	_ =	sdelay $0x3  }
0x34: {  	[smem:$0x3FBA] =	sst s10  }
0x35: {  	s10 =	sld [smem:$0x3FB9];
	_ =	sdelay $0x3  }
0x36: {  	p1 =	seq.s32 s10, $0x1;
	s10 =	sld [smem:$0x3FBA];
	_ =	sdelay $0x3  }
0x37: {  	[smem:$0x3FBA] =	sst s10  }
0x38: {  	s10 =	sld [smem:$0x3FBB]  }
0x39: {  	_ = 	snop;
	(pc) =	sbr.ind lr, $3  }
0x3a: {  	_ = 	snop  }
0x3b: {  	_ = 	snop  }
0x3c: {  	p2 =	seq.s32 s10, $0x1;
	s10 =	sld [smem:$0x3FBA]  }
0x3d: {  	_ =	shalt  }
0x3e: {  	_ =	shalt  }
0x3f: {  	_ =	shalt  }
0x40: {  	_ =	shalt  }
0x41: {  	_ =	shalt  }
0x42: {  	_ =	shalt  }
0x43: {  	_ =	shalt  }
0x44: {  	_ =	shalt  }
0x45: {  	_ =	shalt  }
0x46: {  	_ =	shalt  }
0x47: {  	_ =	shalt  }
0x48: {  	_ =	shalt  }
0x49: {  	_ =	shalt  }
0x4a: {  	_ =	shalt  }
0x4b: {  	_ =	shalt  }
0x4c: {  	_ =	shalt  }
0x4d: {  	_ =	shalt  }
0x4e: {  	_ =	shalt  }
0x4f: {  	_ =	shalt  }
0x50: {  	_ =	shalt  }
0x51: {  	_ =	shalt  }
0x52: {  	_ =	shalt  }
0x53: {  	_ =	shalt  }
0x54: {  	_ =	shalt  }
0x55: {  	_ =	shalt  }
0x56: {  	_ =	shalt  }
0x57: {  	_ =	shalt  }
0x58: {  	_ =	shalt  }
0x59: {  	_ =	shalt  }
0x5a: {  	_ =	shalt  }
0x5b: {  	_ =	shalt  }
0x5c: {  	_ =	shalt  }
0x5d: {  	_ =	shalt  }
0x5e: {  	_ =	shalt  }
0x5f: {  	_ =	shalt  }
0x60: {  	_ =	shalt  }
0x61: {  	_ =	shalt  }
0x62: {  	_ =	shalt  }
0x63: {  	_ =	shalt  }
0x64: {  	_ =	shalt  }
0x65: {  	_ =	shalt  }
0x66: {  	_ =	shalt  }
0x67: {  	_ =	shalt  }
0x68: {  	_ =	shalt  }
0x69: {  	_ =	shalt  }
0x6a: {  	_ =	shalt  }
0x6b: {  	_ =	shalt  }
0x6c: {  	_ =	shalt  }
0x6d: {  	_ =	shalt  }
0x6e: {  	_ =	shalt  }
0x6f: {  	_ =	shalt  }
0x70: {  	_ =	shalt  }
0x71: {  	_ =	shalt  }
0x72: {  	_ =	shalt  }
0x73: {  	_ =	shalt  }
0x74: {  	_ =	shalt  }
0x75: {  	_ =	shalt  }
0x76: {  	_ =	shalt  }
0x77: {  	_ =	shalt  }
0x78: {  	_ =	shalt  }
0x79: {  	_ =	shalt  }
0x7a: {  	_ =	shalt  }
0x7b: {  	_ =	shalt  }
0x7c: {  	_ =	shalt  }
0x7d: {  	_ =	shalt  }
0x7e: {  	_ =	shalt  }
0x7f: {  	_ =	shalt  }
0x80: {  	_ =	shalt  }
0x81: {  	_ =	shalt  }
0x82: {  	_ =	shalt  }
0x83: {  	_ =	shalt  }
0x84: {  	_ =	shalt  }
0x85: {  	_ =	shalt  }
0x86: {  	_ =	shalt  }
0x87: {  	_ =	shalt  }
.Lfunc_end0:
.L_simem_size_0:
called_computation_lowered:
.L_overlay_start_0:
0x88: {  	s2 =	sld [smem:$0x3FD9]  }
0x89: {  	s3 =	sld [smem:$0x3FFE];
	_ =	sdelay $0x1  }
0x8a: {  	s1 =	srdreg.scid  }
0x8b: {  	s0 =	sand.u32 $0x1, s1  }
0x8c: {  	s15 =	sshll.u32 s0, $0xA;
	s2 =	sadd.s32 s3, s2  }
0x8d: {  	s2 =	sadd.s32 s2, s15  }
0x8e: {  	[smem:$0x3FC6] =	sst s2  }
0x8f: {  	_ = 	snop  }
0x90: {  	s2 =	sld [smem:$0x3FD0];
	_ =	sdelay $0x1  }
0x91: {  	s16 =	sld [smem:$0x3FC9]  }
0x92: {  	s5 =	simm.s32 $0xA;
	s6 =	simm.s32 $0x10;
	s4 =	sld [smem:$0x3FC8]  }
0x93: {  	[smem:s6], [sflag:s5] =	dma.local [hbm:s2], $0x1  }
0x94: {  	_ =	swait.eq [sflag:s5], $0x1  }
0x95: {  	[sflag:s5] =	ssyncset.done $0x0  }
0x96: {  	s17 =	sld [smem:$0x10];
	[sflag:s5] =	ssyncadd.s32 $0xFFFFFFFF  }
0x97: {  	s18 =	sld [smem:$0x11];
	(tm) =	ssettm $0x1  }
0x98: {  	s19 =	sld [smem:$0x3FFB];
	_ =	sdelay $0x3  }
0x99: {  	_ =	strace s19  }
0x9a: {  	s6 =	sld [smem:$0x3FFC];
	_ =	sdelay $0x3  }
0x9b: {  	_ =	strace s6  }
0x9c: {  	s6 =	sld [smem:$0x3FFD];
	_ =	sdelay $0x3  }
0x9d: {  	_ =	strace s6  }
0x9e: {  	_ =	strace $0x8FFFFFFF  }
0x9f: {  	s20 =	sld [smem:$0x3FDB];
	_ =	sdelay $0x1  }
0xa0: {  	s7 =	simm.s32 $_scs_section_size  }
0xa1: {  	s8 =	simm.s32 $_size__tile_overlayer_lowered;
	s9 =	simm.s32 $_tile_overlayer_lowered  }
0xa2: {  	s23 =	simm.s32 $0x1BFF;
	s22 =	sshll.u32 s9, $0x1;
	s6 =	sadd.s32 s7, s20  }
0xa3: {  	s10 =	simm.s32 $0x0;
	s21 =	sshll.u32 s8, $0x1;
	s8 =	sadd.s32 s22, s6  }
0xa4: {  	[timem:s10], [sflag:s23] =	dma.local [hbm:s8], s21  }
0xa5: {  	_ =	swait.ge [sflag:s23], s21  }
0xa6: {  	s7 =	ssub.s32 $0x0, s21;
	[sflag:s23] =	ssyncset.done $0x0  }
0xa7: {  	[sflag:s23] =	ssyncadd.s32 s7;
	_ =	sdelay $0x1  }
0xa8: {  	s24 =	simm.s32 $0x1B8B  }
0xa9: {  	_ =	swait.ge [sflag:s24], $0x1  }
0xaa: {  	[sflag:s24] =	ssyncset.done $0x0  }
0xab: {  	s25 =	simm.s32 $0x1B8E;
	[sflag:s24] =	ssyncadd.s32 $0xFFFFFFFF  }
0xac: {  	s26 =	simm.s32 $execute0_lowered;
	[smem:$0x3FD2] =	sst s25  }
0xad: {  	s7 =	sshll.u32 s26, $0x1;
	_ =	strace $0x80000046;
	[dreg:$0x1] =	wrdreg $0xFFFFFFFF  }
0xae: {  	s28 =	simm.s32 $_size_execute0_lowered;
	s6 =	sadd.s32 s6, s7;
	[dreg:$0x0] =	wrdreg $0x0  }
0xaf: {  	s7 =	sshll.u32 s28, $0x1;
	[dreg:$0x2] =	wrdreg s6  }
0xb0: {  	[dreg:$0x3] =	wrdreg s7  }
0xb1: {  	[dreg:$0x4] =	wrdreg $0xC0  }
0xb2: {  	_ =	task [dreg:s10], $0x5FFFF  }
0xb3: {  	[dreg:$0x1] =	wrdreg $0xFFFFFFFF  }
0xb4: {  	[dreg:$0x0] =	wrdreg $0x60  }
0xb5: {  	[dreg:$0x2] =	wrdreg s16  }
0xb6: {  	[dreg:$0x3] =	wrdreg s4  }
0xb7: {  	[dreg:$0x4] =	wrdreg s17  }
0xb8: {  	[dreg:$0x5] =	wrdreg s18  }
0xb9: {  	[dreg:$0x6] =	wrdreg $0x9  }
0xba: {  	_ =	task.clear_ibuf [dreg:s10], $0x7FFFF;
	_ =	strace $0x90000046  }
0xbb: {  	s29 =	simm.s32 $0x9;
	_ =	strace $0x80000048  }
0xbc: {  	_ =	swait.ge [sflag:s29], $0x1  }
0xbd: {  	[sflag:s29] =	ssyncadd.s32 $0xFFFFFFFF  }
0xbe: {  	_ =	strace $0x90000048  }
0xbf: {  	_ =	sfence  }
0xc0: {  	s30 =	sld [smem:$0x0];
	_ =	sdelay $0x2  }
0xc1: {  	s31 =	sshll.u32 s1, $0xD;
	s1 =	sshrl.u32 s1, $0x2  }
0xc2: {  	s3 =	sand.u32 $0x4000, s31;
	s1 =	sadd.s32 s1, s30  }
0xc3: {  	s0 =	sor.u32 s3, s0;
	s1 =	sshll.u32 s1, $0x11  }
0xc4: {  	s0 =	sor.u32 s1, s0  }
0xc5: {  	s0 =	sadd.s32 $0x8F2B, s0  }
0xc6: {  	[sflag:s0] =	ssyncadd.remote.s32 $0x1  }
0xc7: {  	_ =	sfence.sel $0xFFFF  }
0xc8: {  	[dreg:$0x0] =	wrdreg $0xFFFFFFFF;
	(pc) =	sbr.abs _section_cstart, $3  }
0xc9: {  	[dreg:$0x1] =	wrdreg $0xFFFFFFFF  }
0xca: {  	_ =	task.clear_ibuf [dreg:s10], $0x2FFFF;
	_ =	strace $0x9FFFFFFF  }
0xcb: {  	(tm) =	ssettm $0x7FFFFFFF  }
tec
execute0_lowered:
.L_overlay_start_1:
0x0: {  	(tag) =	ssettag $0x1  }
0x1: {  	s0 =	srdreg.scid  }
0x2: {  	s6 =	sand.u32 $0x1, s0  }
0x3: {  	s0 =	stileid.u32;
	s1 =	sshll.u32 s6, $0x4  }
0x4: {  	s4 =	simm.s32 $0x22F0000;
	s3 =	simm.s32 $0x0;
	s5 =	sor.u32 s0, s1  }
0x5: {  	s9 =	simm.s32 $0x4000;
	s6 =	ssub.s32 $0x2, s6;
	p0 =	seq.s32 s5, $0x1  }
0x6: {  	p1 =	seq.s32 s5, $0x2;
	p4 =	seq.s32 s5, $0x4;
	p2 =	seq.s32 s5, $0x5  }
0x7: {  	p3 =	seq.s32 s5, $0x8;
	p5 =	seq.s32 s5, $0x9;
	s2 =	sadd.s32 $0xFFFFFFFB, s5  }
0x8: {  	p6 =	seq.s32 s5, $0xA;
	s16 =	sadd.s32 $0xFFFFFFED, s5;
	s19 =	sadd.s32 $0xFFFFFFFF, s5  }
0x9: {  	s20 =	sadd.s32 $0xFFFFFFF4, s5;
	s26 =	sadd.s32 $0xFFFFFFEE, s5;
	s30 =	sadd.s32 $0xFFFFFFE3, s5  }
0xa: {  	s13 =	sadd.s32 $0xFFFFFFF8, s5;
	s4 =	simm.s32 @!p0 $0x2AC0000;
	s3 =	simm.s32 @!p0 $0x6000  }
0xb: {  	p0 =	slt.u32 s2, $0x2;
	s4 =	simm.s32 @p1 $0x2750000;
	p1 =	seq.s32 s5, $0x3  }
0xc: {  	s4 =	simm.s32 @p1 $0xC00000;
	s1 =	simm.s32 @!p1 $0x0;
	s3 =	simm.s32 @p1 $0xA000  }
0xd: {  	s1 =	simm.s32 @p1 $0x1;
	s4 =	simm.s32 @p4 $0x3430000;
	s3 =	simm.s32 @p4 $0xC000  }
0xe: {  	p1 =	sne.s32 s5, $0xD;
	[smem:$0x7F1] =	sst s1;
	s1 =	simm.s32 @!p2 $0x0  }
0xf: {  	s4 =	simm.s32 @p2 $0x2FB0000;
	s1 =	simm.s32 @p2 $0x1;
	p2 =	seq.s32 s5, $0x6  }
0x10: {  	[smem:$0x7E7] =	sst s1;
	s1 =	simm.s32 @!p2 $0x0;
	s4 =	simm.s32 @p2 $0x2C30000  }
0x11: {  	s1 =	simm.s32 @p2 $0x1;
	p2 =	sne.s32 s5, $0x7;
	s17 =	sld [smem:$0x7E7]  }
0x12: {  	s3 =	simm.s32 @p0 $0xE000;
	[smem:$0x7E8] =	sst s1;
	s1 =	simm.s32 @!p2 $0x0  }
0x13: {  	s4 =	simm.s32 @!p2 $0x1670000;
	s3 =	simm.s32 @!p2 $0x0;
	s1 =	simm.s32 @p2 $0x1  }
0x14: {  	s4 =	simm.s32 @p3 $0x90000;
	p2 =	seq.s32 s5, $0xC;
	s18 =	sld [smem:$0x7E8]  }
0x15: {  	s3 =	simm.s32 @p3 $0x14000;
	[smem:$0x7F0] =	sst s1;
	s1 =	simm.s32 @!p3 $0x0  }
0x16: {  	s4 =	simm.s32 @p5 $0x2D30000;
	s3 =	simm.s32 @p5 $0x16000;
	s21 =	sld [smem:$0x7F0]  }
0x17: {  	s1 =	simm.s32 @p3 $0x1;
	s4 =	simm.s32 @p6 $0x1150000;
	s14 =	sld [smem:$0x7F0]  }
0x18: {  	s3 =	simm.s32 @p6 $0x10000;
	[smem:$0x7E9] =	sst s1;
	s1 =	simm.s32 @!p5 $0x0  }
0x19: {  	p3 =	seq.s32 s5, $0x10;
	s1 =	simm.s32 @p5 $0x1;
	s22 =	sld [smem:$0x7E9]  }
0x1a: {  	p5 =	seq.s32 s5, $0xE;
	[smem:$0x7EA] =	sst s1;
	s1 =	simm.s32 @!p0 $0x0  }
0x1b: {  	s1 =	simm.s32 @p0 $0x1;
	p0 =	sne.s32 s5, $0xB;
	s23 =	sld [smem:$0x7EA]  }
0x1c: {  	[smem:$0x7ED] =	sst s1;
	s1 =	simm.s32 @!p6 $0x0;
	s4 =	simm.s32 @!p0 $0x2F20000  }
0x1d: {  	s3 =	simm.s32 @!p0 $0x12000;
	s1 =	simm.s32 @p6 $0x1;
	s10 =	sld [smem:$0x7ED]  }
0x1e: {  	s4 =	simm.s32 @p2 $0x3240000;
	s3 =	simm.s32 @p2 $0x16000;
	[smem:$0x7EB] =	sst s1  }
0x1f: {  	s1 =	simm.s32 @!p0 $0x0;
	s4 =	simm.s32 @!p1 $0x2570000;
	s3 =	simm.s32 @!p1 $0x1A000  }
0x20: {  	s1 =	simm.s32 @p0 $0x1;
	s4 =	simm.s32 @p5 $0x460000;
	s24 =	sld [smem:$0x7EB]  }
0x21: {  	p5 =	seq.s32 s5, $0xF;
	p0 =	seq.s32 s5, $0x11;
	[smem:$0x7F3] =	sst s1  }
0x22: {  	s4 =	simm.s32 @p5 $0x1D80000;
	s1 =	simm.s32 @!p3 $0x0;
	s7 =	simm.s32 @!p0 $0x0  }
0x23: {  	p5 =	seq.s32 s5, $0x12;
	s4 =	simm.s32 @p3 $0x2580000;
	s1 =	simm.s32 @p3 $0x1  }
0x24: {  	s7 =	simm.s32 @p0 $0x1;
	[smem:$0x7F7] =	sst s1;
	s1 =	sand.u32 $0x1E, s5  }
0x25: {  	s25 =	sld [smem:$0x7F3];
	s4 =	simm.s32 @p0 $0x18C0000;
	p6 =	seq.s32 s1, $0xE  }
0x26: {  	[smem:$0x7F9] =	sst s7;
	s4 =	simm.s32 @p5 $0x13A0000;
	s3 =	simm.s32 @p6 $0x16000  }
0x27: {  	s28 =	sld [smem:$0x7F7];
	s3 =	simm.s32 @p3 $0x2C000;
	p3 =	seq.s32 s5, $0x13  }
0x28: {  	s15 =	sadd.s32 $0xFFFFFFFC, s5;
	s29 =	sld [smem:$0x7F9];
	s4 =	simm.s32 @p3 $0x2C10000  }
0x29: {  	s3 =	simm.s32 @p0 $0x2E000;
	p3 =	seq.s32 s5, $0x14;
	p0 =	seq.s32 s5, $0x15  }
0x2a: {  	s4 =	simm.s32 @p3 $0x1E60000;
	s3 =	simm.s32 @p5 $0x20000;
	p3 =	slt.u32 s16, $0x3  }
0x2b: {  	p5 =	slt.u32 s2, $0xFFFFFFFC;
	s2 =	simm.s32 @!p0 $0x0;
	s16 =	sld [smem:$0x7F1]  }
0x2c: {  	s3 =	simm.s32 @p3 $0x22000;
	s9 =	simm.s32 @!p5 $0x0;
	s2 =	simm.s32 @p0 $0x1  }
0x2d: {  	s4 =	simm.s32 @p0 $0x2270000;
	p0 =	seq.s32 s18, $0x1;
	s18 =	sld [smem:$0x7F3]  }
0x2e: {  	p3 =	seq.s32 s17, $0x1;
	p5 =	sne.s32 s5, $0x17;
	[smem:$0x7FA] =	sst s2  }
0x2f: {  	s9 =	simm.s32 @p3 $0xC000;
	p3 =	seq.s32 s5, $0x16;
	s8 =	simm.s32 @!p5 $0x0  }
0x30: {  	s9 =	simm.s32 @p0 $0x10000;
	s4 =	simm.s32 @p3 $0x570000;
	s2 =	simm.s32 @!p3 $0x0  }
0x31: {  	s8 =	simm.s32 @p5 $0x1;
	p0 =	slt.u32 s19, $0x2;
	s3 =	simm.s32 @p3 $0x2E000  }
0x32: {  	s2 =	simm.s32 @p3 $0x1;
	[smem:$0x7F6] =	sst s8;
	s4 =	simm.s32 @!p5 $0xAE0000  }
0x33: {  	s3 =	simm.s32 @!p5 $0x20000;
	[smem:$0x7EC] =	sst s2;
	s2 =	simm.s32 @!p0 $0x0  }
0x34: {  	p3 =	seq.s32 s22, $0x1;
	s22 =	sld [smem:$0x7F6];
	s2 =	simm.s32 @p0 $0x1  }
0x35: {  	p0 =	por p4, p0;
	p4 =	slt.u32 s20, $0xFFFFFFF9;
	s31 =	sld [smem:$0x7EC]  }
0x36: {  	[smem:$0x7EF] =	sst s2;
	s2 =	simm.s32 @!p0 $0x0;
	p4 =	por !p4, !p0  }
0x37: {  	s2 =	simm.s32 @p0 $0x1;
	p0 =	seq.s32 s5, $0x18;
	s12 =	sld [smem:$0x7EF]  }
0x38: {  	p4 =	por !p4, !p4;
	[smem:$0x7EE] =	sst s2;
	s4 =	simm.s32 @p0 $0x2580000  }
0x39: {  	s3 =	simm.s32 @p0 $0x3E000;
	p5 =	por p2, p4;
	p4 =	seq.s32 s21, $0x1  }
0x3a: {  	s2 =	simm.s32 @!p6 $0x0;
	s21 =	sand.u32 $0x1C, s5;
	s9 =	simm.s32 @!p4 $0x14000  }
0x3b: {  	p0 =	por !p1, !p5;
	p4 =	seq.s32 s5, $0x19;
	s2 =	simm.s32 @p6 $0x1  }
0x3c: {  	s11 =	sld [smem:$0x7EE];
	s9 =	simm.s32 @p3 $0x28000;
	p3 =	seq.s32 s23, $0x1  }
0x3d: {  	s4 =	simm.s32 @p4 $0x3510000;
	p0 =	por !p0, !p0;
	[smem:$0x7F4] =	sst s2  }
0x3e: {  	s3 =	simm.s32 @p4 $0x34000;
	p4 =	seq.s32 s25, $0x1;
	s23 =	sld [smem:$0x7F7]  }
0x3f: {  	s25 =	sld [smem:$0x7F9];
	s9 =	simm.s32 @p3 $0x2C000;
	p3 =	seq.s32 s24, $0x1  }
0x40: {  	p0 =	por p6, p0;
	s19 =	sld [smem:$0x7F4];
	s9 =	simm.s32 @p3 $0x20000  }
0x41: {  	p3 =	por !p1, !p1;
	s9 =	simm.s32 @!p4 $0x24000;
	p4 =	sne.s32 s1, $0x10  }
0x42: {  	p3 =	por @!p2 p1, p1;
	s2 =	simm.s32 @!p4 $0x0;
	s9 =	simm.s32 @p2 $0x0  }
0x43: {  	p0 =	por !p4, !p0;
	p2 =	seq.s32 s28, $0x1;
	s2 =	simm.s32 @p4 $0x1  }
0x44: {  	s9 =	simm.s32 @!p1 $0x34000;
	p0 =	por !p0, !p0;
	p4 =	seq.s32 s5, $0x1A  }
0x45: {  	p1 =	slt.u32 s26, $0x4;
	[smem:$0x7F5] =	sst s2;
	s2 =	simm.s32 @!p3 $0x0  }
0x46: {  	s9 =	simm.s32 @p6 $0x0;
	s4 =	simm.s32 @p4 $0x2A50000;
	p0 =	por p1, p0  }
0x47: {  	p6 =	seq.s32 s5, $0x1B;
	s3 =	simm.s32 @p4 $0x38000;
	s2 =	simm.s32 @p3 $0x1  }
0x48: {  	s9 =	simm.s32 @p2 $0x48000;
	p2 =	seq.s32 s29, $0x1;
	p3 =	sne.s32 s1, $0x16  }
0x49: {  	s4 =	simm.s32 @p6 $0x2190000;
	s3 =	simm.s32 @p6 $0x3E000;
	s20 =	sld [smem:$0x7F5]  }
0x4a: {  	s29 =	sadd.s32 $0xFFFFFFE4, s5;
	[smem:$0x7F2] =	sst s2;
	s9 =	simm.s32 @p2 $0x4C000  }
0x4b: {  	p0 =	por !p3, !p0;
	p2 =	seq.s32 s1, $0x18;
	p3 =	seq.s32 s31, $0x1  }
0x4c: {  	s2 =	simm.s32 $0x0;
	s8 =	simm.s32 @!p2 $0x0;
	s17 =	sld [smem:$0x7F2]  }
0x4d: {  	s31 =	sshll.u32 s5, $0xD;
	[smem:$0x7FF] =	sst s2;
	s8 =	simm.s32 @p2 $0x1  }
0x4e: {  	s9 =	simm.s32 @p1 $0x0;
	p0 =	por !p0, !p0;
	[smem:$0x7F8] =	sst s8  }
0x4f: {  	p1 =	slt.u32 s30, $0xFFFFFFFD;
	p5 =	por p2, p0;
	s8 =	sld [smem:$0x7F6]  }
0x50: {  	p0 =	seq.s32 s5, $0x1C;
	s9 =	simm.s32 @p3 $0x40000;
	p3 =	seq.s32 s5, $0x1D  }
0x51: {  	p5 =	por !p1, !p5;
	s4 =	simm.s32 @p0 $0x34D0000;
	s3 =	simm.s32 @p0 $0x36000  }
0x52: {  	p5 =	por !p5, !p5;
	s4 =	simm.s32 @p3 $0x480000;
	p1 =	seq.s32 s8, $0x1  }
0x53: {  	s3 =	simm.s32 @p3 $0x3C000;
	s24 =	sld [smem:$0x7F8];
	s9 =	simm.s32 @!p1 $0x44000  }
0x54: {  	p5 =	por p3, p5;
	s9 =	simm.s32 @p2 $0x0;
	p2 =	slt.u32 s5, $0x1E  }
0x55: {  	s8 =	rddreg [dreg:$0x1];
	p1 =	por !p2, !p5;
	s9 =	simm.s32 @p4 $0x64000  }
0x56: {  	p5 =	seq.s32 s11, $0x1;
	s7 =	simm.s32 @!p1 $0x0;
	s9 =	simm.s32 @p6 $0x70000  }
0x57: {  	s11 =	rddreg [dreg:$0x2];
	s7 =	simm.s32 @p1 $0x1;
	s9 =	simm.s32 @p0 $0x68000  }
0x58: {  	p0 =	seq.s32 s12, $0x1;
	s12 =	sshrl.u32 s6, $0x1;
	[smem:$0x7FD] =	sst s7  }
0x59: {  	s7 =	simm.s32 @!p4 $0x0;
	s9 =	simm.s32 @p3 $0x0;
	p3 =	slt.u32 s26, $0x5  }
0x5a: {  	s26 =	sld [smem:$0x7FA];
	s7 =	simm.s32 @p4 $0x1;
	p4 =	seq.s32 s10, $0x1  }
0x5b: {  	s10 =	simm.s32 $0x0;
	[smem:$0x7FB] =	sst s7;
	p2 =	por p4, p5  }
0x5c: {  	s7 =	simm.s32 @!p6 $0x0;
	s10 =	simm.s32 @!p0 $0x1C000;
	p0 =	seq.s32 s14, $0x1  }
0x5d: {  	p5 =	seq.s32 s16, $0x1;
	s14 =	rddreg [dreg:$0x3];
	s7 =	simm.s32 @p6 $0x1  }
0x5e: {  	p2 =	por !p0, !p2;
	s10 =	simm.s32 @p5 $0x8000;
	p5 =	slt.u32 s15, $0x3  }
0x5f: {  	p6 =	seq.s32 s17, $0x1;
	s15 =	ssub.s32 s6, s12;
	[smem:$0x7FC] =	sst s7  }
0x60: {  	p4 =	por !p2, !p2;
	p2 =	slt.u32 s13, $0x3;
	s10 =	simm.s32 @p5 $0x0  }
0x61: {  	p5 =	seq.s32 s18, $0x1;
	s7 =	rddreg [dreg:$0x0];
	s13 =	sadd.s32 $0x2000, s14  }
0x62: {  	p1 =	por p2, p4;
	p4 =	por !p6, !p6;
	s10 =	simm.s32 @!p0 $0x18000  }
0x63: {  	p6 =	seq.s32 s19, $0x1;
	s17 =	sadd.s32 s7, s31;
	p1 =	por !p5, !p1  }
0x64: {  	p4 =	por p6, p4;
	s10 =	simm.s32 @p2 $0x0;
	p2 =	seq.s32 s5, $0x1E  }
0x65: {  	p1 =	por !p1, !p1;
	s10 =	simm.s32 @!p5 $0x30000;
	s4 =	simm.s32 @p2 $0x3090000  }
0x66: {  	s3 =	simm.s32 @p2 $0x36000;
	p0 =	por p4, p1;
	p4 =	seq.s32 s20, $0x1  }
0x67: {  	p5 =	sne.s32 s1, $0x1A;
	s1 =	rddreg [dreg:$0x4];
	p0 =	por !p4, !p0  }
0x68: {  	_ =	strace $0x80000047;
	p4 =	seq.s32 s21, $0xC;
	p0 =	por !p0, !p0  }
0x69: {  	s10 =	simm.s32 @p4 $0x0;
	p4 =	seq.s32 s22, $0x1;
	p0 =	por p3, p0  }
0x6a: {  	[dreg:$0x5] =	wrdreg s17;
	p1 =	seq.s32 s23, $0x1;
	p0 =	por !p4, !p0  }
0x6b: {  	s10 =	simm.s32 @p1 $0x5C000;
	p1 =	seq.s32 s24, $0x1;
	p0 =	por !p0, !p0  }
0x6c: {  	s9 =	simm.s32 @p2 $0x74000;
	s16 =	sld [smem:$0x7FD];
	p0 =	por p1, p0  }
0x6d: {  	s28 =	sld [smem:$0x7FB];
	p2 =	por !p5, !p0;
	p0 =	seq.s32 s25, $0x1  }
0x6e: {  	s30 =	sld [smem:$0x7FC];
	p5 =	seq.s32 s26, $0x1;
	s10 =	simm.s32 @p0 $0x50000  }
0x6f: {  	p0 =	por p5, p6;
	p5 =	por !p2, !p2;
	p6 =	seq.s32 s16, $0x1  }
0x70: {  	s16 =	sadd.s32 $0x3FEA, s0;
	s10 =	simm.s32 @p3 $0x0;
	p3 =	sne.s32 s5, $0x1F  }
0x71: {  	s5 =	sshll.u32 s5, $0xE;
	s10 =	simm.s32 @!p4 $0x58000;
	p4 =	slt.u32 s29, $0x3  }
0x72: {  	s4 =	simm.s32 @!p3 $0x3940000;
	s3 =	simm.s32 @!p3 $0x34000;
	s20 =	sadd.s32 s11, s5  }
0x73: {  	s21 =	sadd.s32 s14, s5;
	s9 =	simm.s32 @!p3 $0x60000;
	s24 =	sor.u32 $0x2000, s5  }
0x74: {  	s29 =	sadd.s32 $0x3000, s14;
	s10 =	simm.s32 @p1 $0x0;
	p1 =	seq.s32 s28, $0x1  }
0x75: {  	p2 =	por p4, p5;
	s18 =	sand.u32 $0x7, s4;
	[dreg:$0x8] =	wrdreg s20  }
0x76: {  	s19 =	sadd.s32 s7, s3;
	s4 =	sshrl.u32 s4, $0x3;
	[dreg:$0x9] =	wrdreg s21  }
0x77: {  	s22 =	sadd.s32 s9, s13;
	s7 =	sadd.s32 $0x1000, s7;
	s25 =	sadd.s32 s11, s24  }
0x78: {  	s28 =	sor.u32 $0x1000, s5;
	s9 =	sadd.s32 s9, s29;
	[dreg:$0x6] =	wrdreg s18  }
0x79: {  	s10 =	simm.s32 @p1 $0x7C000;
	p1 =	seq.s32 s30, $0x1;
	[dreg:$0x7] =	wrdreg s19  }
0x7a: {  	p2 =	por !p3, !p2;
	[dreg:$0xa] =	wrdreg s22;
	s6 =	sadd.s32 s31, s7  }
0x7b: {  	s17 =	sadd.s32 s8, s4;
	[dreg:$0xd] =	wrdreg s25;
	s12 =	sadd.s32 s3, s7  }
0x7c: {  	s7 =	sadd.s32 s11, s28;
	s8 =	sadd.s32 s14, s28;
	s30 =	sor.u32 $0x3000, s5  }
0x7d: {  	s31 =	smax.u32 s15, $0x1;
	s15 =	simm.s32 $0x1;
	s26 =	sadd.s32 $0x1000, s17  }
0x7e: {  	s10 =	simm.s32 @p1 $0x78000;
	[dreg:$0xe] =	wrdreg s26;
	s26 =	sadd.s32 $0xFFFFFFFF, s31  }
0x7f: {  	s4 =	simm.s32 $0x4;
	s10 =	simm.s32 @p4 $0x0;
	p4 =	sne.s32 s26, $0x0  }
.Ltmp0:
0x80: {  	s3 =	simm.s32 $0x5;
	p1 =	por !p6, !p6;
	(pc) =	sbr.rel @!p4 .LBB2_3-.Ltmp0, $4  }
0x81: {  	p2 =	por !p2, !p2;
	[dreg:$0xc] =	wrdreg s6;
	s6 =	sadd.s32 s11, s30  }
0x82: {  	s5 =	sadd.s32 s14, s30;
	s11 =	simm.s32 $0x8000;
	s10 =	simm.s32 @!p3 $0x6C000  }
0x83: {  	p3 =	por $0x0, $0x0;
	s23 =	sadd.s32 s10, s13;
	s13 =	sadd.s32 s14, s24  }
0x84: {  	s10 =	sadd.s32 s10, s29;
	s14 =	simm.s32 $0x2;
	[dreg:$0xb] =	wrdreg s23  }
0x85: {  	s18 =	rddreg [dreg:$0x6]  }
0x86: {  	s19 =	sld [smem:$0x7FF]  }
0x87: {  	s28 =	rddreg [dreg:$0x5];
	p3 =	seq.s32 s18, $0x0  }
0x88: {  	[tilespmem:s2], [sflag:$0x1] =	stream.linear.gather [hbm4b:s28+s2], $0x8000, $0x38;
	[tilespmem:$0x18000] =	vst v63  }
0x89: {  	p4 =	sne.s32 @!p3 s19, $0x1  }
0x8a: {  	p4 =	por !p4, p3  }
0x8b: {  	s19 =	sor.u32 @!p4 $0x100000, s16  }
0x8c: {  	[smem:s19], [sflag:$0x0] =	smem.add.s32 @!p4 $0x39B;
	s19 =	simm.s32 @!p4 $0x0  }
0x8d: {  	s18 =	simm.s32 @!p4 $0x1;
	_ =	swait.done @!p4 [sflag:s19]  }
0x8e: {  	[smem:$0x7FF] =	sst @!p4 s18  }
0x8f: {  	_ =	sint @!p4 $0x2  }
0x90: {  	_ =	swait.notdone @!p4 [sflag:s19]  }
0x91: {  	[tilespmem:s11], [sflag:$0x2] =	stream.linear.gather [hbm4b:s17+s2], $0x8000, $0x38;
	[tilespmem:$0x18000] =	vst v63  }
0x92: {  	s18 =	simm.s32 @p0 $0x0;
	s19 =	simm.s32 @p0 $0x10000;
	s20 =	rddreg [dreg:$0x7]  }
0x93: {  	[tilespmem:s19], [sflag:$0x3] =	stream.linear.gather @p0 [hbm4b:s20+s18], $0x8000, $0x38;
	[tilespmem:$0x18000] =	vst v63  }
0x94: {  	_ =	swait.ge [sflag:s15], $0x8000  }
0x95: {  	[sflag:s15] =	ssyncset.done $0x0  }
0x96: {  	s29 =	rddreg [dreg:$0x8];
	[sflag:s15] =	ssyncadd.s32 $0xFFFF8000  }
0x97: {  	[hbm4b:s29+s2] =	stream.linear.scatter [tilespmem:s2], [sflag:$0x4], $0x8000, $0x38;
	[tilespmem:$0x18000] =	vst v63  }
0x98: {  	s21 =	rddreg [dreg:$0x9]  }
0x99: {  	[hbm4b:s21+s2] =	stream.linear.scatter [tilespmem:s2], [sflag:$0x4], $0x8000, $0x38;
	[tilespmem:$0x18000] =	vst v63  }
0x9a: {  	s20 =	simm.s32 @!p1 $0x0;
	s22 =	rddreg [dreg:$0xa]  }
0x9b: {  	[hbm4b:s22+s20] =	stream.linear.scatter @!p1 [tilespmem:s20], [sflag:$0x4], $0x8000, $0x38;
	[tilespmem:$0x18000] =	vst v63  }
0x9c: {  	s23 =	rddreg [dreg:$0xb];
	s21 =	simm.s32 @!p2 $0x0  }
0x9d: {  	[hbm4b:s23+s21] =	stream.linear.scatter @!p2 [tilespmem:s21], [sflag:$0x4], $0x8000, $0x38;
	[tilespmem:$0x18000] =	vst v63  }
0x9e: {  	_ =	swait.ge [sflag:s4], $0x8000  }
0x9f: {  	[sflag:s4] =	ssyncset.done $0x0  }
0xa0: {  	[sflag:s4] =	ssyncadd.s32 $0xFFFF8000  }
0xa1: {  	_ =	swait.ge [sflag:s4], $0x8000  }
0xa2: {  	[sflag:s4] =	ssyncset.done $0x0  }
0xa3: {  	s22 =	simm.s32 @!p1 $0x4;
	[sflag:s4] =	ssyncadd.s32 $0xFFFF8000  }
0xa4: {  	_ =	swait.ge @!p1 [sflag:s22], $0x8000  }
0xa5: {  	[sflag:s22] =	ssyncset.done @!p1 $0x0  }
0xa6: {  	s23 =	simm.s32 @!p2 $0x4;
	[sflag:s22] =	ssyncadd.s32 @!p1 $0xFFFF8000  }
0xa7: {  	_ =	swait.ge @!p2 [sflag:s23], $0x8000  }
0xa8: {  	[sflag:s23] =	ssyncset.done @!p2 $0x0  }
0xa9: {  	s24 =	rddreg [dreg:$0xc];
	[sflag:s23] =	ssyncadd.s32 @!p2 $0xFFFF8000  }
0xaa: {  	[tilespmem:s2], [sflag:$0x1] =	stream.linear.gather [hbm4b:s24+s2], $0x8000, $0x38;
	[tilespmem:$0x18000] =	vst v63  }
0xab: {  	_ =	swait.ge [sflag:s14], $0x8000  }
0xac: {  	[sflag:s14] =	ssyncset.done $0x0  }
0xad: {  	s30 =	rddreg [dreg:$0xd];
	[sflag:s14] =	ssyncadd.s32 $0xFFFF8000  }
0xae: {  	[hbm4b:s30+s2] =	stream.linear.scatter [tilespmem:s11], [sflag:$0x5], $0x8000, $0x38;
	[tilespmem:$0x18000] =	vst v63  }
0xaf: {  	_ =	swait.ge [sflag:s3], $0x8000  }
0xb0: {  	s24 =	sld [smem:$0x7FF];
	_ =	sdelay $0x2  }
0xb1: {  	p4 =	sne.s32 @!p3 s24, $0x1  }
0xb2: {  	[sflag:s3] =	ssyncset.done $0x0;
	p3 =	por !p4, p3  }
0xb3: {  	[sflag:s3] =	ssyncadd.s32 $0xFFFF8000;
	s24 =	sor.u32 @!p3 $0x100000, s16  }
0xb4: {  	s25 =	simm.s32 @!p3 $0x0;
	[smem:s24], [sflag:$0x0] =	smem.add.s32 @!p3 $0x3C3  }
0xb5: {  	s24 =	simm.s32 @!p3 $0x1;
	_ =	swait.done @!p3 [sflag:s25]  }
0xb6: {  	[smem:$0x7FF] =	sst @!p3 s24  }
0xb7: {  	_ =	sint @!p3 $0x2  }
0xb8: {  	_ =	swait.notdone @!p3 [sflag:s25]  }
0xb9: {  	s25 =	simm.s32 @p0 $0x3;
	s31 =	rddreg [dreg:$0xe]  }
0xba: {  	[tilespmem:s11], [sflag:$0x2] =	stream.linear.gather [hbm4b:s31+s2], $0x8000, $0x38;
	[tilespmem:$0x18000] =	vst v63  }
0xbb: {  	_ =	swait.ge @p0 [sflag:s25], $0x8000  }
0xbc: {  	[sflag:s25] =	ssyncset.done @p0 $0x0  }
0xbd: {  	s24 =	simm.s32 @p0 $0x6;
	[sflag:s25] =	ssyncadd.s32 @p0 $0xFFFF8000  }
0xbe: {  	[hbm4b:s13+s18] =	stream.linear.scatter @p0 [tilespmem:s19], [sflag:$0x6], $0x8000, $0x38;
	[tilespmem:$0x18000] =	vst v63  }
0xbf: {  	_ =	swait.ge @p0 [sflag:s24], $0x8000  }
0xc0: {  	[sflag:s24] =	ssyncset.done @p0 $0x0  }
0xc1: {  	[sflag:s24] =	ssyncadd.s32 @p0 $0xFFFF8000  }
0xc2: {  	[tilespmem:s19], [sflag:$0x3] =	stream.linear.gather @p0 [hbm4b:s12+s18], $0x8000, $0x38;
	[tilespmem:$0x18000] =	vst v63  }
0xc3: {  	_ =	swait.ge [sflag:s15], $0x8000  }
0xc4: {  	[sflag:s15] =	ssyncset.done $0x0  }
0xc5: {  	[sflag:s15] =	ssyncadd.s32 $0xFFFF8000  }
0xc6: {  	[hbm4b:s7+s2] =	stream.linear.scatter [tilespmem:s2], [sflag:$0x4], $0x8000, $0x38;
	[tilespmem:$0x18000] =	vst v63  }
0xc7: {  	_ = 	snop  }
0xc8: {  	[hbm4b:s8+s2] =	stream.linear.scatter [tilespmem:s2], [sflag:$0x4], $0x8000, $0x38;
	[tilespmem:$0x18000] =	vst v63  }
0xc9: {  	_ = 	snop  }
0xca: {  	[hbm4b:s9+s20] =	stream.linear.scatter @!p1 [tilespmem:s20], [sflag:$0x4], $0x8000, $0x38;
	[tilespmem:$0x18000] =	vst v63  }
0xcb: {  	_ = 	snop  }
0xcc: {  	[hbm4b:s10+s21] =	stream.linear.scatter @!p2 [tilespmem:s21], [sflag:$0x4], $0x8000, $0x38;
	[tilespmem:$0x18000] =	vst v63  }
0xcd: {  	_ =	swait.ge [sflag:s14], $0x8000  }
0xce: {  	[sflag:s14] =	ssyncset.done $0x0  }
0xcf: {  	[sflag:s14] =	ssyncadd.s32 $0xFFFF8000  }
0xd0: {  	[hbm4b:s6+s2] =	stream.linear.scatter [tilespmem:s11], [sflag:$0x5], $0x8000, $0x38;
	[tilespmem:$0x18000] =	vst v63  }
0xd1: {  	_ =	swait.ge @p0 [sflag:s25], $0x8000  }
0xd2: {  	[sflag:s25] =	ssyncset.done @p0 $0x0  }
0xd3: {  	[sflag:s25] =	ssyncadd.s32 @p0 $0xFFFF8000  }
0xd4: {  	[hbm4b:s5+s18] =	stream.linear.scatter @p0 [tilespmem:s19], [sflag:$0x6], $0x8000, $0x38;
	[tilespmem:$0x18000] =	vst v63  }
0xd5: {  	_ =	swait.ge [sflag:s4], $0x8000  }
0xd6: {  	[sflag:s4] =	ssyncset.done $0x0  }
0xd7: {  	[sflag:s4] =	ssyncadd.s32 $0xFFFF8000  }
0xd8: {  	_ =	swait.ge [sflag:s4], $0x8000  }
0xd9: {  	[sflag:s4] =	ssyncset.done $0x0  }
0xda: {  	[sflag:s4] =	ssyncadd.s32 $0xFFFF8000  }
0xdb: {  	_ =	swait.ge @!p1 [sflag:s22], $0x8000  }
0xdc: {  	[sflag:s22] =	ssyncset.done @!p1 $0x0  }
0xdd: {  	[sflag:s22] =	ssyncadd.s32 @!p1 $0xFFFF8000  }
0xde: {  	s26 =	sadd.s32 $0xFFFFFFFF, s26;
	_ =	swait.ge @!p2 [sflag:s23], $0x8000  }
0xdf: {  	p4 =	sne.s32 s26, $0x0;
	[sflag:s23] =	ssyncset.done @!p2 $0x0  }
.Ltmp1:
0xe0: {  	[sflag:s23] =	ssyncadd.s32 @!p2 $0xFFFF8000;
	(pc) =	sbr.rel @!p4 .LBB2_3-.Ltmp1, $4  }
0xe1: {  	_ =	swait.ge [sflag:s3], $0x8000  }
0xe2: {  	[sflag:s3] =	ssyncset.done $0x0  }
0xe3: {  	[sflag:s3] =	ssyncadd.s32 $0xFFFF8000  }
0xe4: {  	p3 =	por $0x1, $0x1;
	_ =	swait.ge @p0 [sflag:s24], $0x8000  }
.LBB2_2:
0xe5: {  	s28 =	rddreg [dreg:$0x6]  }
0xe6: {  	[sflag:s24] =	ssyncset.done @p0 $0x0;
	s29 =	sld [smem:$0x7FF]  }
0xe7: {  	s31 =	rddreg [dreg:$0x5];
	[sflag:s24] =	ssyncadd.s32 @p0 $0xFFFF8000;
	p5 =	seq.s32 s28, $0x0  }
0xe8: {  	[tilespmem:s2], [sflag:$0x1] =	stream.linear.gather [hbm4b:s31+s2], $0x8000, $0x38;
	[tilespmem:$0x18000] =	vst v63  }
0xe9: {  	p6 =	sne.s32 @!p5 s29, $0x1  }
0xea: {  	p6 =	por !p6, p5  }
0xeb: {  	s29 =	sor.u32 @!p6 $0x100000, s16  }
0xec: {  	[smem:s29], [sflag:$0x0] =	smem.add.s32 @!p6 $0x39B;
	s29 =	simm.s32 @!p6 $0x0  }
0xed: {  	s30 =	simm.s32 @!p6 $0x1;
	_ =	swait.done @!p6 [sflag:s29]  }
0xee: {  	[smem:$0x7FF] =	sst @!p6 s30  }
0xef: {  	_ =	sint @!p6 $0x2  }
0xf0: {  	_ =	swait.notdone @!p6 [sflag:s29]  }
0xf1: {  	[tilespmem:s11], [sflag:$0x2] =	stream.linear.gather [hbm4b:s17+s2], $0x8000, $0x38;
	[tilespmem:$0x18000] =	vst v63  }
0xf2: {  	s28 =	rddreg [dreg:$0x7]  }
0xf3: {  	[tilespmem:s19], [sflag:$0x3] =	stream.linear.gather @p0 [hbm4b:s28+s18], $0x8000, $0x38;
	[tilespmem:$0x18000] =	vst v63  }
0xf4: {  	_ =	swait.ge [sflag:s15], $0x8000  }
0xf5: {  	[sflag:s15] =	ssyncset.done $0x0  }
0xf6: {  	s28 =	rddreg [dreg:$0x8];
	[sflag:s15] =	ssyncadd.s32 $0xFFFF8000  }
0xf7: {  	[hbm4b:s28+s2] =	stream.linear.scatter [tilespmem:s2], [sflag:$0x4], $0x8000, $0x38;
	[tilespmem:$0x18000] =	vst v63  }
0xf8: {  	s31 =	rddreg [dreg:$0x9]  }
0xf9: {  	[hbm4b:s31+s2] =	stream.linear.scatter [tilespmem:s2], [sflag:$0x4], $0x8000, $0x38;
	[tilespmem:$0x18000] =	vst v63  }
0xfa: {  	s30 =	rddreg [dreg:$0xa]  }
0xfb: {  	[hbm4b:s30+s20] =	stream.linear.scatter @!p1 [tilespmem:s20], [sflag:$0x4], $0x8000, $0x38;
	[tilespmem:$0x18000] =	vst v63  }
0xfc: {  	s28 =	rddreg [dreg:$0xb]  }
0xfd: {  	[hbm4b:s28+s21] =	stream.linear.scatter @!p2 [tilespmem:s21], [sflag:$0x4], $0x8000, $0x38;
	[tilespmem:$0x18000] =	vst v63  }
0xfe: {  	_ =	swait.ge [sflag:s4], $0x8000  }
0xff: {  	[sflag:s4] =	ssyncset.done $0x0  }
0x100: {  	[sflag:s4] =	ssyncadd.s32 $0xFFFF8000  }
0x101: {  	_ =	swait.ge [sflag:s4], $0x8000  }
0x102: {  	[sflag:s4] =	ssyncset.done $0x0  }
0x103: {  	[sflag:s4] =	ssyncadd.s32 $0xFFFF8000  }
0x104: {  	_ =	swait.ge @!p1 [sflag:s22], $0x8000  }
0x105: {  	[sflag:s22] =	ssyncset.done @!p1 $0x0  }
0x106: {  	[sflag:s22] =	ssyncadd.s32 @!p1 $0xFFFF8000  }
0x107: {  	_ =	swait.ge @!p2 [sflag:s23], $0x8000  }
0x108: {  	[sflag:s23] =	ssyncset.done @!p2 $0x0  }
0x109: {  	s29 =	rddreg [dreg:$0xc];
	[sflag:s23] =	ssyncadd.s32 @!p2 $0xFFFF8000  }
0x10a: {  	[tilespmem:s2], [sflag:$0x1] =	stream.linear.gather [hbm4b:s29+s2], $0x8000, $0x38;
	[tilespmem:$0x18000] =	vst v63  }
0x10b: {  	_ =	swait.ge [sflag:s14], $0x8000  }
0x10c: {  	[sflag:s14] =	ssyncset.done $0x0  }
0x10d: {  	s30 =	rddreg [dreg:$0xd];
	[sflag:s14] =	ssyncadd.s32 $0xFFFF8000  }
0x10e: {  	[hbm4b:s30+s2] =	stream.linear.scatter [tilespmem:s11], [sflag:$0x5], $0x8000, $0x38;
	[tilespmem:$0x18000] =	vst v63  }
0x10f: {  	_ =	swait.ge [sflag:s3], $0x8000  }
0x110: {  	s28 =	sld [smem:$0x7FF];
	_ =	sdelay $0x2  }
0x111: {  	p6 =	sne.s32 @!p5 s28, $0x1  }
0x112: {  	[sflag:s3] =	ssyncset.done $0x0;
	p5 =	por !p6, p5  }
0x113: {  	[sflag:s3] =	ssyncadd.s32 $0xFFFF8000;
	s28 =	sor.u32 @!p5 $0x100000, s16  }
0x114: {  	s29 =	simm.s32 @!p5 $0x0;
	[smem:s28], [sflag:$0x0] =	smem.add.s32 @!p5 $0x3C3  }
0x115: {  	s28 =	simm.s32 @!p5 $0x1;
	_ =	swait.done @!p5 [sflag:s29]  }
0x116: {  	[smem:$0x7FF] =	sst @!p5 s28  }
0x117: {  	_ =	sint @!p5 $0x2  }
0x118: {  	_ =	swait.notdone @!p5 [sflag:s29]  }
0x119: {  	s31 =	rddreg [dreg:$0xe]  }
0x11a: {  	[tilespmem:s11], [sflag:$0x2] =	stream.linear.gather [hbm4b:s31+s2], $0x8000, $0x38;
	[tilespmem:$0x18000] =	vst v63  }
0x11b: {  	_ =	swait.ge @p0 [sflag:s25], $0x8000  }
0x11c: {  	[sflag:s25] =	ssyncset.done @p0 $0x0  }
0x11d: {  	[sflag:s25] =	ssyncadd.s32 @p0 $0xFFFF8000  }
0x11e: {  	[hbm4b:s13+s18] =	stream.linear.scatter @p0 [tilespmem:s19], [sflag:$0x6], $0x8000, $0x38;
	[tilespmem:$0x18000] =	vst v63  }
0x11f: {  	_ =	swait.ge @p0 [sflag:s24], $0x8000  }
0x120: {  	[sflag:s24] =	ssyncset.done @p0 $0x0  }
0x121: {  	[sflag:s24] =	ssyncadd.s32 @p0 $0xFFFF8000  }
0x122: {  	[tilespmem:s19], [sflag:$0x3] =	stream.linear.gather @p0 [hbm4b:s12+s18], $0x8000, $0x38;
	[tilespmem:$0x18000] =	vst v63  }
0x123: {  	_ =	swait.ge [sflag:s15], $0x8000  }
0x124: {  	[sflag:s15] =	ssyncset.done $0x0  }
0x125: {  	[sflag:s15] =	ssyncadd.s32 $0xFFFF8000  }
0x126: {  	[hbm4b:s7+s2] =	stream.linear.scatter [tilespmem:s2], [sflag:$0x4], $0x8000, $0x38;
	[tilespmem:$0x18000] =	vst v63  }
0x127: {  	_ = 	snop  }
0x128: {  	[hbm4b:s8+s2] =	stream.linear.scatter [tilespmem:s2], [sflag:$0x4], $0x8000, $0x38;
	[tilespmem:$0x18000] =	vst v63  }
0x129: {  	_ = 	snop  }
0x12a: {  	[hbm4b:s9+s20] =	stream.linear.scatter @!p1 [tilespmem:s20], [sflag:$0x4], $0x8000, $0x38;
	[tilespmem:$0x18000] =	vst v63  }
0x12b: {  	_ = 	snop  }
0x12c: {  	[hbm4b:s10+s21] =	stream.linear.scatter @!p2 [tilespmem:s21], [sflag:$0x4], $0x8000, $0x38;
	[tilespmem:$0x18000] =	vst v63  }
0x12d: {  	_ =	swait.ge [sflag:s14], $0x8000  }
0x12e: {  	[sflag:s14] =	ssyncset.done $0x0  }
0x12f: {  	[sflag:s14] =	ssyncadd.s32 $0xFFFF8000  }
0x130: {  	[hbm4b:s6+s2] =	stream.linear.scatter [tilespmem:s11], [sflag:$0x5], $0x8000, $0x38;
	[tilespmem:$0x18000] =	vst v63  }
0x131: {  	_ =	swait.ge @p0 [sflag:s25], $0x8000  }
0x132: {  	[sflag:s25] =	ssyncset.done @p0 $0x0  }
0x133: {  	[sflag:s25] =	ssyncadd.s32 @p0 $0xFFFF8000  }
0x134: {  	[hbm4b:s5+s18] =	stream.linear.scatter @p0 [tilespmem:s19], [sflag:$0x6], $0x8000, $0x38;
	[tilespmem:$0x18000] =	vst v63  }
0x135: {  	_ =	swait.ge [sflag:s4], $0x8000  }
0x136: {  	[sflag:s4] =	ssyncset.done $0x0  }
0x137: {  	[sflag:s4] =	ssyncadd.s32 $0xFFFF8000  }
0x138: {  	_ =	swait.ge [sflag:s4], $0x8000  }
0x139: {  	[sflag:s4] =	ssyncset.done $0x0  }
0x13a: {  	[sflag:s4] =	ssyncadd.s32 $0xFFFF8000  }
0x13b: {  	_ =	swait.ge @!p1 [sflag:s22], $0x8000  }
0x13c: {  	[sflag:s22] =	ssyncset.done @!p1 $0x0  }
0x13d: {  	[sflag:s22] =	ssyncadd.s32 @!p1 $0xFFFF8000  }
0x13e: {  	s26 =	sadd.s32 $0xFFFFFFFF, s26;
	_ =	swait.ge @!p2 [sflag:s23], $0x8000  }
0x13f: {  	p4 =	sne.s32 s26, $0x0;
	[sflag:s23] =	ssyncset.done @!p2 $0x0  }
.Ltmp2:
0x140: {  	[sflag:s23] =	ssyncadd.s32 @!p2 $0xFFFF8000;
	(pc) =	sbr.rel @p4 .LBB2_2-.Ltmp2, $4  }
0x141: {  	_ =	swait.ge [sflag:s3], $0x8000  }
0x142: {  	[sflag:s3] =	ssyncset.done $0x0  }
0x143: {  	[sflag:s3] =	ssyncadd.s32 $0xFFFF8000  }
0x144: {  	_ =	swait.ge @p0 [sflag:s24], $0x8000  }
.LBB2_3:
0x145: {  	s19 =	sld [smem:$0x7FF]  }
0x146: {  	s18 =	rddreg [dreg:$0x6];
	p3 =	por !p0, !p3  }
0x147: {  	p4 =	seq.s32 s18, $0x0;
	[sflag:s24] =	ssyncset.done @!p3 $0x0  }
0x148: {  	s28 =	rddreg [dreg:$0x5];
	[sflag:s24] =	ssyncadd.s32 @!p3 $0xFFFF8000;
	p5 =	sne.s32 @!p4 s19, $0x1  }
0x149: {  	[tilespmem:s2], [sflag:$0x1] =	stream.linear.gather [hbm4b:s28+s2], $0x8000, $0x38;
	[tilespmem:$0x18000] =	vst v63  }
0x14a: {  	p5 =	por !p5, p4  }
0x14b: {  	s19 =	sor.u32 @!p5 $0x100000, s16  }
0x14c: {  	[smem:s19], [sflag:$0x0] =	smem.add.s32 @!p5 $0x39B;
	s19 =	simm.s32 @!p5 $0x0  }
0x14d: {  	s18 =	simm.s32 @!p5 $0x1;
	_ =	swait.done @!p5 [sflag:s19]  }
0x14e: {  	[smem:$0x7FF] =	sst @!p5 s18  }
0x14f: {  	_ =	sint @!p5 $0x2  }
0x150: {  	_ =	swait.notdone @!p5 [sflag:s19]  }
0x151: {  	[tilespmem:s11], [sflag:$0x2] =	stream.linear.gather [hbm4b:s17+s2], $0x8000, $0x38;
	[tilespmem:$0x18000] =	vst v63  }
0x152: {  	s18 =	simm.s32 @p0 $0x10000;
	s19 =	rddreg [dreg:$0x7];
	s17 =	simm.s32 @p0 $0x0  }
0x153: {  	[tilespmem:s18], [sflag:$0x3] =	stream.linear.gather @p0 [hbm4b:s19+s17], $0x8000, $0x38;
	[tilespmem:$0x18000] =	vst v63  }
0x154: {  	_ =	swait.ge [sflag:s15], $0x8000  }
0x155: {  	[sflag:s15] =	ssyncset.done $0x0  }
0x156: {  	s29 =	rddreg [dreg:$0x8];
	[sflag:s15] =	ssyncadd.s32 $0xFFFF8000  }
0x157: {  	[hbm4b:s29+s2] =	stream.linear.scatter [tilespmem:s2], [sflag:$0x4], $0x8000, $0x38;
	[tilespmem:$0x18000] =	vst v63  }
0x158: {  	s20 =	rddreg [dreg:$0x9]  }
0x159: {  	[hbm4b:s20+s2] =	stream.linear.scatter [tilespmem:s2], [sflag:$0x4], $0x8000, $0x38;
	[tilespmem:$0x18000] =	vst v63  }
0x15a: {  	s21 =	simm.s32 @!p1 $0x0;
	s19 =	rddreg [dreg:$0xa]  }
0x15b: {  	[hbm4b:s19+s21] =	stream.linear.scatter @!p1 [tilespmem:s21], [sflag:$0x4], $0x8000, $0x38;
	[tilespmem:$0x18000] =	vst v63  }
0x15c: {  	s22 =	simm.s32 @!p2 $0x0;
	s20 =	rddreg [dreg:$0xb]  }
0x15d: {  	[hbm4b:s20+s22] =	stream.linear.scatter @!p2 [tilespmem:s22], [sflag:$0x4], $0x8000, $0x38;
	[tilespmem:$0x18000] =	vst v63  }
0x15e: {  	_ =	swait.ge [sflag:s4], $0x8000  }
0x15f: {  	[sflag:s4] =	ssyncset.done $0x0  }
0x160: {  	[sflag:s4] =	ssyncadd.s32 $0xFFFF8000  }
0x161: {  	_ =	swait.ge [sflag:s4], $0x8000  }
0x162: {  	[sflag:s4] =	ssyncset.done $0x0  }
0x163: {  	s19 =	simm.s32 @!p1 $0x4;
	[sflag:s4] =	ssyncadd.s32 $0xFFFF8000  }
0x164: {  	_ =	swait.ge @!p1 [sflag:s19], $0x8000  }
0x165: {  	[sflag:s19] =	ssyncset.done @!p1 $0x0  }
0x166: {  	s20 =	simm.s32 @!p2 $0x4;
	[sflag:s19] =	ssyncadd.s32 @!p1 $0xFFFF8000  }
0x167: {  	_ =	swait.ge @!p2 [sflag:s20], $0x8000  }
0x168: {  	[sflag:s20] =	ssyncset.done @!p2 $0x0  }
0x169: {  	s23 =	rddreg [dreg:$0xc];
	[sflag:s20] =	ssyncadd.s32 @!p2 $0xFFFF8000  }
0x16a: {  	[tilespmem:s2], [sflag:$0x1] =	stream.linear.gather [hbm4b:s23+s2], $0x8000, $0x38;
	[tilespmem:$0x18000] =	vst v63  }
0x16b: {  	_ =	swait.ge [sflag:s14], $0x8000  }
0x16c: {  	[sflag:s14] =	ssyncset.done $0x0  }
0x16d: {  	s30 =	rddreg [dreg:$0xd];
	[sflag:s14] =	ssyncadd.s32 $0xFFFF8000  }
0x16e: {  	[hbm4b:s30+s2] =	stream.linear.scatter [tilespmem:s11], [sflag:$0x5], $0x8000, $0x38;
	[tilespmem:$0x18000] =	vst v63  }
0x16f: {  	_ =	swait.ge [sflag:s3], $0x8000  }
0x170: {  	s23 =	sld [smem:$0x7FF];
	_ =	sdelay $0x2  }
0x171: {  	p3 =	sne.s32 @!p4 s23, $0x1  }
0x172: {  	[sflag:s3] =	ssyncset.done $0x0;
	p3 =	por !p3, p4  }
0x173: {  	[sflag:s3] =	ssyncadd.s32 $0xFFFF8000;
	s16 =	sor.u32 @!p3 $0x100000, s16  }
0x174: {  	s23 =	simm.s32 @!p3 $0x0;
	[smem:s16], [sflag:$0x0] =	smem.add.s32 @!p3 $0x3C3  }
0x175: {  	s16 =	simm.s32 @!p3 $0x1;
	_ =	swait.done @!p3 [sflag:s23]  }
0x176: {  	[smem:$0x7FF] =	sst @!p3 s16  }
0x177: {  	_ =	sint @!p3 $0x2  }
0x178: {  	_ =	swait.notdone @!p3 [sflag:s23]  }
0x179: {  	s23 =	simm.s32 @p0 $0x3;
	s31 =	rddreg [dreg:$0xe]  }
0x17a: {  	[tilespmem:s11], [sflag:$0x2] =	stream.linear.gather [hbm4b:s31+s2], $0x8000, $0x38;
	[tilespmem:$0x18000] =	vst v63  }
0x17b: {  	_ =	swait.ge @p0 [sflag:s23], $0x8000  }
0x17c: {  	[sflag:s23] =	ssyncset.done @p0 $0x0  }
0x17d: {  	s16 =	simm.s32 @p0 $0x6;
	[sflag:s23] =	ssyncadd.s32 @p0 $0xFFFF8000  }
0x17e: {  	[hbm4b:s13+s17] =	stream.linear.scatter @p0 [tilespmem:s18], [sflag:$0x6], $0x8000, $0x38;
	[tilespmem:$0x18000] =	vst v63  }
0x17f: {  	_ =	swait.ge @p0 [sflag:s16], $0x8000  }
0x180: {  	[sflag:s16] =	ssyncset.done @p0 $0x0  }
0x181: {  	[sflag:s16] =	ssyncadd.s32 @p0 $0xFFFF8000  }
0x182: {  	[tilespmem:s18], [sflag:$0x3] =	stream.linear.gather @p0 [hbm4b:s12+s17], $0x8000, $0x38;
	[tilespmem:$0x18000] =	vst v63  }
0x183: {  	_ =	swait.ge [sflag:s15], $0x8000  }
0x184: {  	[sflag:s15] =	ssyncset.done $0x0  }
0x185: {  	[sflag:s15] =	ssyncadd.s32 $0xFFFF8000  }
0x186: {  	[hbm4b:s7+s2] =	stream.linear.scatter [tilespmem:s2], [sflag:$0x4], $0x8000, $0x38;
	[tilespmem:$0x18000] =	vst v63  }
0x187: {  	_ = 	snop  }
0x188: {  	[hbm4b:s8+s2] =	stream.linear.scatter [tilespmem:s2], [sflag:$0x4], $0x8000, $0x38;
	[tilespmem:$0x18000] =	vst v63  }
0x189: {  	_ = 	snop  }
0x18a: {  	[hbm4b:s9+s21] =	stream.linear.scatter @!p1 [tilespmem:s21], [sflag:$0x4], $0x8000, $0x38;
	[tilespmem:$0x18000] =	vst v63  }
0x18b: {  	_ = 	snop  }
0x18c: {  	[hbm4b:s10+s22] =	stream.linear.scatter @!p2 [tilespmem:s22], [sflag:$0x4], $0x8000, $0x38;
	[tilespmem:$0x18000] =	vst v63  }
0x18d: {  	_ =	swait.ge [sflag:s14], $0x8000  }
0x18e: {  	[sflag:s14] =	ssyncset.done $0x0  }
0x18f: {  	[sflag:s14] =	ssyncadd.s32 $0xFFFF8000  }
0x190: {  	[hbm4b:s6+s2] =	stream.linear.scatter [tilespmem:s11], [sflag:$0x5], $0x8000, $0x38;
	[tilespmem:$0x18000] =	vst v63  }
0x191: {  	_ =	swait.ge @p0 [sflag:s23], $0x8000  }
0x192: {  	[sflag:s23] =	ssyncset.done @p0 $0x0  }
0x193: {  	[sflag:s23] =	ssyncadd.s32 @p0 $0xFFFF8000  }
0x194: {  	[hbm4b:s5+s17] =	stream.linear.scatter @p0 [tilespmem:s18], [sflag:$0x6], $0x8000, $0x38;
	[tilespmem:$0x18000] =	vst v63  }
0x195: {  	_ =	swait.ge [sflag:s4], $0x8000  }
0x196: {  	[sflag:s4] =	ssyncset.done $0x0  }
0x197: {  	[sflag:s4] =	ssyncadd.s32 $0xFFFF8000  }
0x198: {  	_ =	swait.ge [sflag:s4], $0x8000  }
0x199: {  	[sflag:s4] =	ssyncset.done $0x0  }
0x19a: {  	[sflag:s4] =	ssyncadd.s32 $0xFFFF8000  }
0x19b: {  	_ =	swait.ge @!p1 [sflag:s19], $0x8000  }
0x19c: {  	[sflag:s19] =	ssyncset.done @!p1 $0x0  }
0x19d: {  	[sflag:s19] =	ssyncadd.s32 @!p1 $0xFFFF8000  }
0x19e: {  	_ =	swait.ge @!p2 [sflag:s20], $0x8000  }
0x19f: {  	[sflag:s20] =	ssyncset.done @!p2 $0x0  }
0x1a0: {  	[sflag:s20] =	ssyncadd.s32 @!p2 $0xFFFF8000  }
0x1a1: {  	_ =	swait.ge [sflag:s3], $0x8000  }
0x1a2: {  	[sflag:s3] =	ssyncset.done $0x0  }
0x1a3: {  	[sflag:s3] =	ssyncadd.s32 $0xFFFF8000  }
0x1a4: {  	_ =	swait.ge @p0 [sflag:s16], $0x8000  }
0x1a5: {  	[sflag:s16] =	ssyncset.done @p0 $0x0  }
0x1a6: {  	[sflag:s16] =	ssyncadd.s32 @p0 $0xFFFF8000  }
0x1a7: {  	_ =	sfence.sel $0x180000  }
0x1a8: {  	[bflag:$0x0] =	sbarrier.arrive $0xFFFF  }
0x1a9: {  	p0 =	sne.s32 s0, $0x0;
	_ =	strace $0x90000047  }
0x1aa: {  	s0 =	sadd.s32 @!p0 $0x100000, s1;
	[bflag:$0x2] =	sbarrier.arrive $0xFFFF  }
0x1ab: {  	[sflag:s0] =	ssyncadd.tile.s32 @!p0 $0x1;
	_ =	shalt  }
.Lfunc_end2:
_tile_overlayer_lowered:
.L_overlay_start_2:
0x1ac: {  	(tag) =	ssettag $0x2  }
0x1ad: {  	s0 =	rddreg [dreg:$0x0];
	s2 =	stileid.u32  }
0x1ae: {  	s1 =	rddreg [dreg:$0x1];
	p0 =	sne.s32 s2, $0x0  }
0x1af: {  	s3 =	rddreg [dreg:$0x2];
	[bflag:$0x3] =	sbarrier.arrive $0xFFFF;
	s2 =	simm.s32 @!p0 $0x1C07  }
0x1b0: {  	[timem:s3], [sflag:s2] =	dma.local @!p0 [hbm:s0], s1  }
0x1b1: {  	s0 =	simm.s32 @!p0 $0x7  }
0x1b2: {  	_ =	swait.ge @!p0 [sflag:s0], s1  }
0x1b3: {  	s1 =	ssub.s32 @!p0 $0x0, s1;
	[sflag:s0] =	ssyncset.done @!p0 $0x0  }
0x1b4: {  	[sflag:s0] =	ssyncadd.s32 @!p0 s1  }
0x1b5: {  	[bflag:$0x3] =	sbarrier.arrive $0xFFFF  }
0x1b6: {  	_ =	shalt  }

</sc_bundles>
